<compile_context>
chip_gen: v7x
topology: tpu7x:2x2x1
jax: 0.10.2.dev20260603
libtpu: 0.0.44.dev20260713+nightly
codegen_flags: <defaults>
</compile_context>

<pallas_src>
import functools

import jax
import jax.numpy as jnp
import numpy as np
from jax import lax
from jax.experimental import pallas as pl
from jax.experimental.pallas import tpu as pltpu
from jax.experimental.pallas import tpu_sc as plsc

N = 10000
E = 160000
D = 16
NB = 20
HID = 20
RADIUS = 5.0
NGRAPH = 8

NW = 32
CHUNK = 128
NCHUNK = 40
EPT = NCHUNK * CHUNK
E_PAD = NW * EPT
QTR = EPT // 4
NROW = N + 8
ZROWS = N // 16

_SUS_C = 1.14136 * float(np.exp(2.0))


def _sus(x):
    xp = jnp.where(x > 0.0, x, 1.0)
    return jnp.where(x > 0.0, jnp.exp(-1.0 / xp), 0.0)


_sc_mesh = plsc.VectorSubcoreMesh(core_axis_name="c", subcore_axis_name="s")


@functools.partial(
    pl.kernel,
    out_type=(
        jax.ShapeDtypeStruct((E_PAD, 2 * D), jnp.float32),
        jax.ShapeDtypeStruct((E_PAD, D), jnp.float32),
    ),
    mesh=_sc_mesh,
    scratch_types=[
        pltpu.VMEM((EPT,), jnp.int32),
        pltpu.VMEM((EPT,), jnp.int32),
        pltpu.VMEM((QTR, 2 * D), jnp.float32),
        pltpu.VMEM((QTR, D), jnp.float32),
        pltpu.SemaphoreType.DMA,
    ],
    compiler_params=pltpu.CompilerParams(use_tc_tiling_on_sc=False),
)
def _gather_sc(srctab_hbm, pos16_hbm, src_hbm, dst_hbm,
               sg_hbm, dg_hbm,
               sidx, didx, sbuf, dbuf, sem):
    wid = lax.axis_index("s") * 2 + lax.axis_index("c")
    base = wid * EPT
    pltpu.sync_copy(src_hbm.at[pl.ds(base, EPT)], sidx)
    pltpu.sync_copy(dst_hbm.at[pl.ds(base, EPT)], didx)
    for q in range(4):
        off = q * QTR
        a = pltpu.async_copy(srctab_hbm.at[sidx.at[pl.ds(off, QTR)]], sbuf, sem)
        b = pltpu.async_copy(pos16_hbm.at[didx.at[pl.ds(off, QTR)]], dbuf, sem)
        a.wait()
        b.wait()
        pltpu.sync_copy(sbuf, sg_hbm.at[pl.ds(base + off, QTR)])
        pltpu.sync_copy(dbuf, dg_hbm.at[pl.ds(base + off, QTR)])


EB = 4096


_HI = jax.lax.Precision.HIGHEST


def _tdot(a_t, b):
    return lax.dot_general(a_t, b, (((0,), (0,)), ((), ())),
                           preferred_element_type=jnp.float32, precision=_HI)


def _edge_body(sg_ref, dg_ref, w1_ref, w2_ref, out_ref):
    sg = sg_ref[...]
    vec = dg_ref[...] - sg[:, :D]
    xs = sg[:, D:]
    dsq = jnp.sum(vec * vec, axis=1, keepdims=True)
    dsq_t = jnp.transpose(dsq)
    d_t = jnp.sqrt(dsq_t + 1e-12)
    step = RADIUS / (NB + 1)
    idx = lax.broadcasted_iota(jnp.int32, (NB, EB), 0).astype(jnp.float32)
    diff = d_t * (1.0 / step) - (idx + 1.0)
    m = (diff > -1.0) & (diff < 1.0)
    a = jnp.where(m, diff + 1.0, 1.0)
    b = jnp.where(m, 1.0 - diff, 1.0)
    emb_t = jnp.where(
        m, (_SUS_C * np.sqrt(NB)) * jnp.exp(-(1.0 / a + 1.0 / b)), 0.0)
    w1s = w1_ref[...] * (1.0 / np.sqrt(NB))
    h_t = _tdot(w1s, emb_t)
    h_t = jnp.maximum(h_t, 0.0) * np.sqrt(2.0)
    w2s = w2_ref[...] * (1.0 / np.sqrt(HID))
    weight = _tdot(h_t, w2s)
    jj = lax.broadcasted_iota(jnp.int32, (D, D * D), 1)
    uu = lax.broadcasted_iota(jnp.int32, (D, D * D), 0)
    S = (uu == jj // D).astype(jnp.float32)
    xtile = jnp.dot(xs, S, preferred_element_type=jnp.float32)
    zz = xtile * weight
    jg = lax.broadcasted_iota(jnp.int32, (D * D, D), 0)
    wg = lax.broadcasted_iota(jnp.int32, (D * D, D), 1)
    G = (jg % D == wg).astype(jnp.float32)
    out_ref[...] = jnp.dot(zz, G, preferred_element_type=jnp.float32) * (
        1.0 / np.sqrt(D))


def _edge_tc(sg, dg, w1, w2):
    grid = E_PAD // EB
    return pl.pallas_call(
        _edge_body,
        grid=(grid,),
        in_specs=[
            pl.BlockSpec((EB, 2 * D), lambda i: (i, 0)),
            pl.BlockSpec((EB, D), lambda i: (i, 0)),
            pl.BlockSpec((HID, HID), lambda i: (0, 0)),
            pl.BlockSpec((HID, D * D), lambda i: (0, 0)),
        ],
        out_specs=pl.BlockSpec((EB, D), lambda i: (i, 0)),
        out_shape=jax.ShapeDtypeStruct((E_PAD, D), jnp.float32),
    )(sg, dg, w1, w2)


@functools.partial(
    pl.kernel,
    out_type=jax.ShapeDtypeStruct((2, N, D), jnp.float32),
    mesh=plsc.VectorSubcoreMesh(core_axis_name="c", subcore_axis_name="s"),
    scratch_types=[
        pltpu.VMEM((NCHUNK, CHUNK), jnp.int32),
        pltpu.VMEM((CHUNK, D), jnp.float32),
        pltpu.VMEM_SHARED((NROW, D), jnp.float32),
    ],
    compiler_params=pltpu.CompilerParams(use_tc_tiling_on_sc=False),
)
def _scatter_sc(fe_hbm, dst3_hbm, zeros_hbm, out_hbm, idxv, fbuf, shared):
    cid = lax.axis_index("c")
    sid = lax.axis_index("s")
    wid = sid * 2 + cid
    pltpu.sync_copy(zeros_hbm.at[pl.ds(sid * ZROWS, ZROWS)],
                    shared.at[pl.ds(sid * ZROWS, ZROWS)])
    pltpu.sync_copy(dst3_hbm.at[wid], idxv)
    plsc.subcore_barrier()

    def body(j, carry):
        pltpu.sync_copy(fe_hbm.at[pl.ds(wid * EPT + j * CHUNK, CHUNK)], fbuf)
        pltpu.sync_copy(fbuf, shared.at[idxv.at[j]], add=True)
        return carry

    lax.fori_loop(0, NCHUNK, body, 0)
    plsc.subcore_barrier()
    pltpu.sync_copy(shared.at[pl.ds(sid * ZROWS, ZROWS)],
                    out_hbm.at[cid, pl.ds(sid * ZROWS, ZROWS)])


def _final_body(p_ref, b_ref, src_ref, fout_ref, nn_ref):
    b = b_ref[...]
    src = src_ref[...]
    starts = [jnp.int32(0)]
    for g in range(1, NGRAPH):
        starts.append(jnp.sum((b < g).astype(jnp.int32)))
    starts.append(jnp.int32(N))
    cnts = [jnp.float32(0.0)]
    for g in range(1, NGRAPH):
        cnts.append(jnp.sum((src < starts[g]).astype(jnp.float32)))
    cnts.append(jnp.float32(E))
    nn = []
    for g in range(NGRAPH):
        n_edges = cnts[g + 1] - cnts[g]
        n_res = (starts[g + 1] - starts[g]).astype(jnp.float32)
        nn.append(n_edges / n_res)
    lane = lax.broadcasted_iota(jnp.int32, (1, NGRAPH), 1)
    nn_row = jnp.zeros((1, NGRAPH), jnp.float32)
    for g in range(NGRAPH):
        nn_row = nn_row + nn[g] * (lane == g).astype(jnp.float32)
    nn_ref[...] = nn_row
    scale = jnp.zeros((N, 1), jnp.float32)
    for g in range(NGRAPH):
        scale = scale + nn[g] * (b == g).astype(jnp.float32)
    fout_ref[...] = (p_ref[0] + p_ref[1]) / jnp.sqrt(scale)


def _final_tc(partials, batch2d, src2d):
    return pl.pallas_call(
        _final_body,
        in_specs=[
            pl.BlockSpec(partials.shape, lambda: (0, 0, 0)),
            pl.BlockSpec(batch2d.shape, lambda: (0, 0)),
            pl.BlockSpec(src2d.shape, lambda: (0, 0)),
        ],
        out_specs=[
            pl.BlockSpec((N, D), lambda: (0, 0)),
            pl.BlockSpec((1, NGRAPH), lambda: (0, 0)),
        ],
        out_shape=[
            jax.ShapeDtypeStruct((N, D), jnp.float32),
            jax.ShapeDtypeStruct((1, NGRAPH), jnp.float32),
        ],
    )(partials, batch2d, src2d)


def kernel(pos, f_in, edge_src, edge_dst, batch_index, W1, W2):
    srctab = jnp.concatenate(
        [pos, jnp.zeros((N, D - 3), jnp.float32), f_in], axis=1)
    pos16 = jnp.pad(pos, ((0, 8), (0, D - 3)))
    pad = E_PAD - E
    src_pad = jnp.concatenate([edge_src, jnp.zeros((pad,), jnp.int32)])
    dst_pad = jnp.concatenate([edge_dst, jnp.full((pad,), N, jnp.int32)])
    dst3 = dst_pad.reshape(NW, NCHUNK, CHUNK)
    zeros = jnp.zeros((N, D), jnp.float32)

    sg, dg = _gather_sc(srctab, pos16, src_pad, dst_pad)
    fe = _edge_tc(sg, dg, W1, W2)
    partials = _scatter_sc(fe, dst3, zeros)
    f_out, nn2 = _final_tc(partials, batch_index.reshape(N, 1),
                           edge_src.reshape(E // 128, 128))
    return (f_out, edge_src, edge_dst, nn2.reshape(NGRAPH))

# --- scband reference (transcript-rebuilt; emitter-appended) ---
"""Pipeline reference for scband-conv-layer-15126874816931 (READ-ONLY COPY).

The authoritative reference and input builder live on the scoring server;
editing this copy changes nothing except your own understanding.
"""

import jax, jax.numpy as jnp
import numpy as np

N = 10000
E = 160000
D = 16
NB = 20
HID = 20
RADIUS = 5.0
NGRAPH = 8
WNUMEL = D * D


def _sus(x):
    xp = jnp.where(x > 0.0, x, 1.0)
    return jnp.where(x > 0.0, jnp.exp(-1.0 / xp), 0.0)


def _safe_norm(vec):
    return jnp.sqrt(jnp.sum(vec * vec, axis=1) + 1e-12)


def _spherical_harmonics_l012(vec):
    # e3nn o3.spherical_harmonics(l=0..2, normalize=True, normalization='component')
    n = _safe_norm(vec)
    r = vec / n[:, None]
    x = r[:, 0]; y = r[:, 1]; z = r[:, 2]
    sh0 = jnp.ones_like(x)
    c1 = np.sqrt(3.0)
    c2 = np.sqrt(15.0)
    sh = jnp.stack([
        sh0,
        c1 * x, c1 * y, c1 * z,
        c2 * x * y,
        c2 * y * z,
        np.sqrt(5.0) * 0.5 * (2.0 * z * z - x * x - y * y),
        c2 * x * z,
        c2 * 0.5 * (x * x - y * y),
    ], axis=1)
    return sh


def _soft_one_hot_smooth_finite(d, start, end, number):
    # e3nn.math.soft_one_hot_linspace(basis='smooth_finite', cutoff=True)
    values = jnp.linspace(start, end, number + 2)
    step = values[1] - values[0]
    values = values[1:-1]
    diff = (d[:, None] - values[None, :]) / step
    return 1.14136 * float(np.exp(2.0)) * _sus(diff + 1.0) * _sus(1.0 - diff)


def setup_inputs(seed: int = 0):
    key = jax.random.key(seed)
    ks = jax.random.split(key, 7)
    pos = jax.random.normal(ks[0], (N, 3), dtype=jnp.float32) * 3.0
    f_in = jax.random.normal(ks[1], (N, D), dtype=jnp.float32)
    edge_src = jax.random.randint(ks[2], (E,), 0, N, dtype=jnp.int32)
    edge_dst = jax.random.randint(ks[3], (E,), 0, N, dtype=jnp.int32)
    batch_index = jnp.sort(jax.random.randint(ks[4], (N,), 0, NGRAPH, dtype=jnp.int32))
    # e3nn FullyConnectedNet stores unit-normal weights, divides by sqrt(fan_in) at runtime
    W1 = jax.random.normal(ks[5], (NB, HID), dtype=jnp.float32)
    W2 = jax.random.normal(ks[6], (HID, WNUMEL), dtype=jnp.float32)
    return {"pos": pos, "f_in": f_in, "edge_src": edge_src, "edge_dst": edge_dst, "batch_index": batch_index, "W1": W1, "W2": W2}


def reference(pos, f_in, edge_src, edge_dst, batch_index, W1, W2):
    num_graphs = NGRAPH
    # count_neighbors
    n_neigh = jax.ops.segment_sum(jnp.ones((E,), jnp.float32), jnp.take(batch_index, edge_src), num_segments=num_graphs)
    n_res = jax.ops.segment_sum(jnp.ones((N,), jnp.float32), batch_index, num_segments=num_graphs)
    n_neigh = n_neigh / n_res
    edge_vec = jnp.take(pos, edge_dst, axis=0) - jnp.take(pos, edge_src, axis=0)
    sh = _spherical_harmonics_l012(edge_vec)
    d = _safe_norm(edge_vec)
    emb = _soft_one_hot_smooth_finite(d, 0.0, RADIUS, NB) * (NB ** 0.5)
    # FullyConnectedNet([20, 20, weight_numel], act=relu); relu normalized to 2nd moment (sqrt(2))
    h = emb @ (W1 / np.sqrt(NB))
    h = jnp.maximum(h, 0.0) * np.sqrt(2.0)
    weight = h @ (W2 / np.sqrt(HID))
    # FullyConnectedTensorProduct(16x0e, 0e+1o+2e, 16x0e): single path 0e x 0e -> 0e (uvw),
    # path normalization 1/sqrt(mul_in1 * mul_in2) = 1/sqrt(16)
    w = weight.reshape(E, D, D)
    x_src = jnp.take(f_in, edge_src, axis=0)
    f_edge = jnp.einsum('euw,eu->ew', w, x_src) * sh[:, 0:1] / np.sqrt(float(D))
    f_out = jax.ops.segment_sum(f_edge, edge_dst, num_segments=N)
    f_out = f_out / jnp.sqrt(jnp.take(n_neigh, batch_index))[:, None]
    return (f_out, edge_src, edge_dst, n_neigh)

if __name__ == "__main__":
    import jax
    _d = setup_inputs()
    print(jax.jit(kernel)(*tuple(_d.values())))

</pallas_src>

<mosaic_0001>
#map = affine_map<(d0, d1) -> (0, 0)>
#map1 = affine_map<(d0, d1) -> (0)>
module attributes {stable_mosaic.version = 14 : i64} {
  func.func @_gather_sc(%arg0: i32, %arg1: i32, %arg2: memref<10000x32xf32, #tpu.memory_space<hbm>>, %arg3: memref<10008x16xf32, #tpu.memory_space<hbm>>, %arg4: memref<163840xi32, #tpu.memory_space<hbm>>, %arg5: memref<163840xi32, #tpu.memory_space<hbm>>, %arg6: memref<163840x32xf32, #tpu.memory_space<hbm>>, %arg7: memref<163840x16xf32, #tpu.memory_space<hbm>>, %arg8: memref<5120xi32, #tpu.memory_space<vmem>>, %arg9: memref<5120xi32, #tpu.memory_space<vmem>>, %arg10: memref<1280x32xf32, #tpu.memory_space<vmem>>, %arg11: memref<1280x16xf32, #tpu.memory_space<vmem>>, %arg12: memref<!tpu.dma_semaphore, #tpu.memory_space<semaphore_mem>>) attributes {dimension_semantics = [#tpu.dimension_semantics<core_parallel>, #tpu.dimension_semantics<subcore_parallel>], iteration_bounds = array<i64: 2, 16>, scalar_prefetch = 0 : i64, scratch_operands = 5 : i64, tpu.core_type = #tpu.core_type<sc_vector_subcore>, window_params = [{transform_indices = #map}, {transform_indices = #map}, {transform_indices = #map1}, {transform_indices = #map1}, {transform_indices = #map}, {transform_indices = #map}]} {
    %mul3A = arith.constant 2 : i32
    %mul3A_0 = arith.muli %arg1, %mul3A : i32
    %add3A = arith.addi %mul3A_0, %arg0 : i32
    %mul3A_1 = arith.constant 5120 : i32
    %mul3A_2 = arith.muli %add3A, %mul3A_1 : i32
    "tpu.region"() ({
      %run_scoped3A = tpu.sem_alloc : memref<!tpu.dma_semaphore, #tpu.memory_space<semaphore_mem>>
      %dma_start3A_97 = tpu.memref_slice %arg4[%mul3A_2] : memref<163840xi32, #tpu.memory_space<hbm>> -> memref<5120xi32, #tpu.memory_space<hbm>>
      %dma_start3A_98 = tpu.memref_slice %arg4[%mul3A_2] : memref<163840xi32, #tpu.memory_space<hbm>> -> memref<5120xi32, #tpu.memory_space<hbm>>
      tpu.enqueue_dma source(%dma_start3A_98 : memref<5120xi32, #tpu.memory_space<hbm>>) target(%arg8 : memref<5120xi32, #tpu.memory_space<vmem>>) target_semaphore(%run_scoped3A : memref<!tpu.dma_semaphore, #tpu.memory_space<semaphore_mem>>)
      %dma_wait3A_99 = tpu.memref_slice %arg4[%mul3A_2] : memref<163840xi32, #tpu.memory_space<hbm>> -> memref<5120xi32, #tpu.memory_space<hbm>>
      %dma_wait3A_100 = tpu.memref_slice %arg4[%mul3A_2] : memref<163840xi32, #tpu.memory_space<hbm>> -> memref<5120xi32, #tpu.memory_space<hbm>>
      tpu.wait_dma2 semaphore(%run_scoped3A : memref<!tpu.dma_semaphore, #tpu.memory_space<semaphore_mem>>) src(%dma_wait3A_100 : memref<5120xi32, #tpu.memory_space<hbm>>) dst(%arg8 : memref<5120xi32, #tpu.memory_space<vmem>>)
      tpu.yield
    }) : () -> ()
    "tpu.region"() ({
      %run_scoped3A = tpu.sem_alloc : memref<!tpu.dma_semaphore, #tpu.memory_space<semaphore_mem>>
      %dma_start3A_97 = tpu.memref_slice %arg5[%mul3A_2] : memref<163840xi32, #tpu.memory_space<hbm>> -> memref<5120xi32, #tpu.memory_space<hbm>>
      %dma_start3A_98 = tpu.memref_slice %arg5[%mul3A_2] : memref<163840xi32, #tpu.memory_space<hbm>> -> memref<5120xi32, #tpu.memory_space<hbm>>
      tpu.enqueue_dma source(%dma_start3A_98 : memref<5120xi32, #tpu.memory_space<hbm>>) target(%arg9 : memref<5120xi32, #tpu.memory_space<vmem>>) target_semaphore(%run_scoped3A : memref<!tpu.dma_semaphore, #tpu.memory_space<semaphore_mem>>)
      %dma_wait3A_99 = tpu.memref_slice %arg5[%mul3A_2] : memref<163840xi32, #tpu.memory_space<hbm>> -> memref<5120xi32, #tpu.memory_space<hbm>>
      %dma_wait3A_100 = tpu.memref_slice %arg5[%mul3A_2] : memref<163840xi32, #tpu.memory_space<hbm>> -> memref<5120xi32, #tpu.memory_space<hbm>>
      tpu.wait_dma2 semaphore(%run_scoped3A : memref<!tpu.dma_semaphore, #tpu.memory_space<semaphore_mem>>) src(%dma_wait3A_100 : memref<5120xi32, #tpu.memory_space<hbm>>) dst(%arg9 : memref<5120xi32, #tpu.memory_space<vmem>>)
      tpu.yield
    }) : () -> ()
    %dma_start3A = arith.constant 0 : i32
    %dma_start3A_3 = tpu.memref_slice %arg8[%dma_start3A] : memref<5120xi32, #tpu.memory_space<vmem>> -> memref<1280xi32, #tpu.memory_space<vmem>>
    %dma_start3A_4 = arith.constant 0 : i32
    %dma_start3A_5 = arith.constant 0 : i32
    %dma_start3A_6 = tpu.memref_slice %arg2[%dma_start3A_4, %dma_start3A_5] : memref<10000x32xf32, #tpu.memory_space<hbm>> -> memref<10000x32xf32, #tpu.memory_space<hbm>>
    tpu.enqueue_indirect_dma source(%dma_start3A_6 : memref<10000x32xf32, #tpu.memory_space<hbm>>) target(%arg10 : memref<1280x32xf32, #tpu.memory_space<vmem>>) offsets(%dma_start3A_3 : memref<1280xi32, #tpu.memory_space<vmem>>) semaphore(%arg12 : memref<!tpu.dma_semaphore, #tpu.memory_space<semaphore_mem>>)
    %dma_start3A_7 = arith.constant 0 : i32
    %dma_start3A_8 = tpu.memref_slice %arg9[%dma_start3A_7] : memref<5120xi32, #tpu.memory_space<vmem>> -> memref<1280xi32, #tpu.memory_space<vmem>>
    %dma_start3A_9 = arith.constant 0 : i32
    %dma_start3A_10 = arith.constant 0 : i32
    %dma_start3A_11 = tpu.memref_slice %arg3[%dma_start3A_9, %dma_start3A_10] : memref<10008x16xf32, #tpu.memory_space<hbm>> -> memref<10008x16xf32, #tpu.memory_space<hbm>>
    tpu.enqueue_indirect_dma source(%dma_start3A_11 : memref<10008x16xf32, #tpu.memory_space<hbm>>) target(%arg11 : memref<1280x16xf32, #tpu.memory_space<vmem>>) offsets(%dma_start3A_8 : memref<1280xi32, #tpu.memory_space<vmem>>) semaphore(%arg12 : memref<!tpu.dma_semaphore, #tpu.memory_space<semaphore_mem>>)
    %dma_wait3A = arith.constant 0 : i32
    %dma_wait3A_12 = tpu.memref_slice %arg8[%dma_wait3A] : memref<5120xi32, #tpu.memory_space<vmem>> -> memref<1280xi32, #tpu.memory_space<vmem>>
    %dma_wait3A_13 = arith.constant 0 : i32
    %dma_wait3A_14 = arith.constant 0 : i32
    %dma_wait3A_15 = tpu.memref_slice %arg2[%dma_wait3A_13, %dma_wait3A_14] : memref<10000x32xf32, #tpu.memory_space<hbm>> -> memref<10000x32xf32, #tpu.memory_space<hbm>>
    tpu.wait_indirect_dma semaphore(%arg12 : memref<!tpu.dma_semaphore, #tpu.memory_space<semaphore_mem>>) src(%dma_wait3A_15 : memref<10000x32xf32, #tpu.memory_space<hbm>>) dst(%arg10 : memref<1280x32xf32, #tpu.memory_space<vmem>>)
    %dma_wait3A_16 = arith.constant 0 : i32
    %dma_wait3A_17 = tpu.memref_slice %arg9[%dma_wait3A_16] : memref<5120xi32, #tpu.memory_space<vmem>> -> memref<1280xi32, #tpu.memory_space<vmem>>
    %dma_wait3A_18 = arith.constant 0 : i32
    %dma_wait3A_19 = arith.constant 0 : i32
    %dma_wait3A_20 = tpu.memref_slice %arg3[%dma_wait3A_18, %dma_wait3A_19] : memref<10008x16xf32, #tpu.memory_space<hbm>> -> memref<10008x16xf32, #tpu.memory_space<hbm>>
    tpu.wait_indirect_dma semaphore(%arg12 : memref<!tpu.dma_semaphore, #tpu.memory_space<semaphore_mem>>) src(%dma_wait3A_20 : memref<10008x16xf32, #tpu.memory_space<hbm>>) dst(%arg11 : memref<1280x16xf32, #tpu.memory_space<vmem>>)
    %add3A_21 = arith.constant 0 : i32
    %add3A_22 = arith.addi %mul3A_2, %add3A_21 : i32
    "tpu.region"() ({
      %run_scoped3A = tpu.sem_alloc : memref<!tpu.dma_semaphore, #tpu.memory_space<semaphore_mem>>
      %dma_start3A_97 = arith.constant 0 : i32
      %dma_start3A_98 = tpu.memref_slice %arg6[%add3A_22, %dma_start3A_97] : memref<163840x32xf32, #tpu.memory_space<hbm>> -> memref<1280x32xf32, #tpu.memory_space<hbm>>
      %dma_start3A_99 = arith.constant 0 : i32
      %dma_start3A_100 = tpu.memref_slice %arg6[%add3A_22, %dma_start3A_99] : memref<163840x32xf32, #tpu.memory_space<hbm>> -> memref<1280x32xf32, #tpu.memory_space<hbm>>
      tpu.enqueue_dma source(%arg10 : memref<1280x32xf32, #tpu.memory_space<vmem>>) target(%dma_start3A_100 : memref<1280x32xf32, #tpu.memory_space<hbm>>) target_semaphore(%run_scoped3A : memref<!tpu.dma_semaphore, #tpu.memory_space<semaphore_mem>>)
      %dma_wait3A_101 = arith.constant 0 : i32
      %dma_wait3A_102 = tpu.memref_slice %arg6[%add3A_22, %dma_wait3A_101] : memref<163840x32xf32, #tpu.memory_space<hbm>> -> memref<1280x32xf32, #tpu.memory_space<hbm>>
      %dma_wait3A_103 = arith.constant 0 : i32
      %dma_wait3A_104 = tpu.memref_slice %arg6[%add3A_22, %dma_wait3A_103] : memref<163840x32xf32, #tpu.memory_space<hbm>> -> memref<1280x32xf32, #tpu.memory_space<hbm>>
      tpu.wait_dma2 semaphore(%run_scoped3A : memref<!tpu.dma_semaphore, #tpu.memory_space<semaphore_mem>>) src(%arg10 : memref<1280x32xf32, #tpu.memory_space<vmem>>) dst(%dma_wait3A_104 : memref<1280x32xf32, #tpu.memory_space<hbm>>)
      tpu.yield
    }) : () -> ()
    %add3A_23 = arith.constant 0 : i32
    %add3A_24 = arith.addi %mul3A_2, %add3A_23 : i32
    "tpu.region"() ({
      %run_scoped3A = tpu.sem_alloc : memref<!tpu.dma_semaphore, #tpu.memory_space<semaphore_mem>>
      %dma_start3A_97 = arith.constant 0 : i32
      %dma_start3A_98 = tpu.memref_slice %arg7[%add3A_24, %dma_start3A_97] : memref<163840x16xf32, #tpu.memory_space<hbm>> -> memref<1280x16xf32, #tpu.memory_space<hbm>>
      %dma_start3A_99 = arith.constant 0 : i32
      %dma_start3A_100 = tpu.memref_slice %arg7[%add3A_24, %dma_start3A_99] : memref<163840x16xf32, #tpu.memory_space<hbm>> -> memref<1280x16xf32, #tpu.memory_space<hbm>>
      tpu.enqueue_dma source(%arg11 : memref<1280x16xf32, #tpu.memory_space<vmem>>) target(%dma_start3A_100 : memref<1280x16xf32, #tpu.memory_space<hbm>>) target_semaphore(%run_scoped3A : memref<!tpu.dma_semaphore, #tpu.memory_space<semaphore_mem>>)
      %dma_wait3A_101 = arith.constant 0 : i32
      %dma_wait3A_102 = tpu.memref_slice %arg7[%add3A_24, %dma_wait3A_101] : memref<163840x16xf32, #tpu.memory_space<hbm>> -> memref<1280x16xf32, #tpu.memory_space<hbm>>
      %dma_wait3A_103 = arith.constant 0 : i32
      %dma_wait3A_104 = tpu.memref_slice %arg7[%add3A_24, %dma_wait3A_103] : memref<163840x16xf32, #tpu.memory_space<hbm>> -> memref<1280x16xf32, #tpu.memory_space<hbm>>
      tpu.wait_dma2 semaphore(%run_scoped3A : memref<!tpu.dma_semaphore, #tpu.memory_space<semaphore_mem>>) src(%arg11 : memref<1280x16xf32, #tpu.memory_space<vmem>>) dst(%dma_wait3A_104 : memref<1280x16xf32, #tpu.memory_space<hbm>>)
      tpu.yield
    }) : () -> ()
    %dma_start3A_25 = arith.constant 1280 : i32
    %dma_start3A_26 = tpu.memref_slice %arg8[%dma_start3A_25] : memref<5120xi32, #tpu.memory_space<vmem>> -> memref<1280xi32, #tpu.memory_space<vmem>>
    %dma_start3A_27 = arith.constant 0 : i32
    %dma_start3A_28 = arith.constant 0 : i32
    %dma_start3A_29 = tpu.memref_slice %arg2[%dma_start3A_27, %dma_start3A_28] : memref<10000x32xf32, #tpu.memory_space<hbm>> -> memref<10000x32xf32, #tpu.memory_space<hbm>>
    tpu.enqueue_indirect_dma source(%dma_start3A_29 : memref<10000x32xf32, #tpu.memory_space<hbm>>) target(%arg10 : memref<1280x32xf32, #tpu.memory_space<vmem>>) offsets(%dma_start3A_26 : memref<1280xi32, #tpu.memory_space<vmem>>) semaphore(%arg12 : memref<!tpu.dma_semaphore, #tpu.memory_space<semaphore_mem>>)
    %dma_start3A_30 = arith.constant 1280 : i32
    %dma_start3A_31 = tpu.memref_slice %arg9[%dma_start3A_30] : memref<5120xi32, #tpu.memory_space<vmem>> -> memref<1280xi32, #tpu.memory_space<vmem>>
    %dma_start3A_32 = arith.constant 0 : i32
    %dma_start3A_33 = arith.constant 0 : i32
    %dma_start3A_34 = tpu.memref_slice %arg3[%dma_start3A_32, %dma_start3A_33] : memref<10008x16xf32, #tpu.memory_space<hbm>> -> memref<10008x16xf32, #tpu.memory_space<hbm>>
    tpu.enqueue_indirect_dma source(%dma_start3A_34 : memref<10008x16xf32, #tpu.memory_space<hbm>>) target(%arg11 : memref<1280x16xf32, #tpu.memory_space<vmem>>) offsets(%dma_start3A_31 : memref<1280xi32, #tpu.memory_space<vmem>>) semaphore(%arg12 : memref<!tpu.dma_semaphore, #tpu.memory_space<semaphore_mem>>)
    %dma_wait3A_35 = arith.constant 1280 : i32
    %dma_wait3A_36 = tpu.memref_slice %arg8[%dma_wait3A_35] : memref<5120xi32, #tpu.memory_space<vmem>> -> memref<1280xi32, #tpu.memory_space<vmem>>
    %dma_wait3A_37 = arith.constant 0 : i32
    %dma_wait3A_38 = arith.constant 0 : i32
    %dma_wait3A_39 = tpu.memref_slice %arg2[%dma_wait3A_37, %dma_wait3A_38] : memref<10000x32xf32, #tpu.memory_space<hbm>> -> memref<10000x32xf32, #tpu.memory_space<hbm>>
    tpu.wait_indirect_dma semaphore(%arg12 : memref<!tpu.dma_semaphore, #tpu.memory_space<semaphore_mem>>) src(%dma_wait3A_39 : memref<10000x32xf32, #tpu.memory_space<hbm>>) dst(%arg10 : memref<1280x32xf32, #tpu.memory_space<vmem>>)
    %dma_wait3A_40 = arith.constant 1280 : i32
    %dma_wait3A_41 = tpu.memref_slice %arg9[%dma_wait3A_40] : memref<5120xi32, #tpu.memory_space<vmem>> -> memref<1280xi32, #tpu.memory_space<vmem>>
    %dma_wait3A_42 = arith.constant 0 : i32
    %dma_wait3A_43 = arith.constant 0 : i32
    %dma_wait3A_44 = tpu.memref_slice %arg3[%dma_wait3A_42, %dma_wait3A_43] : memref<10008x16xf32, #tpu.memory_space<hbm>> -> memref<10008x16xf32, #tpu.memory_space<hbm>>
    tpu.wait_indirect_dma semaphore(%arg12 : memref<!tpu.dma_semaphore, #tpu.memory_space<semaphore_mem>>) src(%dma_wait3A_44 : memref<10008x16xf32, #tpu.memory_space<hbm>>) dst(%arg11 : memref<1280x16xf32, #tpu.memory_space<vmem>>)
    %add3A_45 = arith.constant 1280 : i32
    %add3A_46 = arith.addi %mul3A_2, %add3A_45 : i32
    "tpu.region"() ({
      %run_scoped3A = tpu.sem_alloc : memref<!tpu.dma_semaphore, #tpu.memory_space<semaphore_mem>>
      %dma_start3A_97 = arith.constant 0 : i32
      %dma_start3A_98 = tpu.memref_slice %arg6[%add3A_46, %dma_start3A_97] : memref<163840x32xf32, #tpu.memory_space<hbm>> -> memref<1280x32xf32, #tpu.memory_space<hbm>>
      %dma_start3A_99 = arith.constant 0 : i32
      %dma_start3A_100 = tpu.memref_slice %arg6[%add3A_46, %dma_start3A_99] : memref<163840x32xf32, #tpu.memory_space<hbm>> -> memref<1280x32xf32, #tpu.memory_space<hbm>>
      tpu.enqueue_dma source(%arg10 : memref<1280x32xf32, #tpu.memory_space<vmem>>) target(%dma_start3A_100 : memref<1280x32xf32, #tpu.memory_space<hbm>>) target_semaphore(%run_scoped3A : memref<!tpu.dma_semaphore, #tpu.memory_space<semaphore_mem>>)
      %dma_wait3A_101 = arith.constant 0 : i32
      %dma_wait3A_102 = tpu.memref_slice %arg6[%add3A_46, %dma_wait3A_101] : memref<163840x32xf32, #tpu.memory_space<hbm>> -> memref<1280x32xf32, #tpu.memory_space<hbm>>
      %dma_wait3A_103 = arith.constant 0 : i32
      %dma_wait3A_104 = tpu.memref_slice %arg6[%add3A_46, %dma_wait3A_103] : memref<163840x32xf32, #tpu.memory_space<hbm>> -> memref<1280x32xf32, #tpu.memory_space<hbm>>
      tpu.wait_dma2 semaphore(%run_scoped3A : memref<!tpu.dma_semaphore, #tpu.memory_space<semaphore_mem>>) src(%arg10 : memref<1280x32xf32, #tpu.memory_space<vmem>>) dst(%dma_wait3A_104 : memref<1280x32xf32, #tpu.memory_space<hbm>>)
      tpu.yield
    }) : () -> ()
    %add3A_47 = arith.constant 1280 : i32
    %add3A_48 = arith.addi %mul3A_2, %add3A_47 : i32
    "tpu.region"() ({
      %run_scoped3A = tpu.sem_alloc : memref<!tpu.dma_semaphore, #tpu.memory_space<semaphore_mem>>
      %dma_start3A_97 = arith.constant 0 : i32
      %dma_start3A_98 = tpu.memref_slice %arg7[%add3A_48, %dma_start3A_97] : memref<163840x16xf32, #tpu.memory_space<hbm>> -> memref<1280x16xf32, #tpu.memory_space<hbm>>
      %dma_start3A_99 = arith.constant 0 : i32
      %dma_start3A_100 = tpu.memref_slice %arg7[%add3A_48, %dma_start3A_99] : memref<163840x16xf32, #tpu.memory_space<hbm>> -> memref<1280x16xf32, #tpu.memory_space<hbm>>
      tpu.enqueue_dma source(%arg11 : memref<1280x16xf32, #tpu.memory_space<vmem>>) target(%dma_start3A_100 : memref<1280x16xf32, #tpu.memory_space<hbm>>) target_semaphore(%run_scoped3A : memref<!tpu.dma_semaphore, #tpu.memory_space<semaphore_mem>>)
      %dma_wait3A_101 = arith.constant 0 : i32
      %dma_wait3A_102 = tpu.memref_slice %arg7[%add3A_48, %dma_wait3A_101] : memref<163840x16xf32, #tpu.memory_space<hbm>> -> memref<1280x16xf32, #tpu.memory_space<hbm>>
      %dma_wait3A_103 = arith.constant 0 : i32
      %dma_wait3A_104 = tpu.memref_slice %arg7[%add3A_48, %dma_wait3A_103] : memref<163840x16xf32, #tpu.memory_space<hbm>> -> memref<1280x16xf32, #tpu.memory_space<hbm>>
      tpu.wait_dma2 semaphore(%run_scoped3A : memref<!tpu.dma_semaphore, #tpu.memory_space<semaphore_mem>>) src(%arg11 : memref<1280x16xf32, #tpu.memory_space<vmem>>) dst(%dma_wait3A_104 : memref<1280x16xf32, #tpu.memory_space<hbm>>)
      tpu.yield
    }) : () -> ()
    %dma_start3A_49 = arith.constant 2560 : i32
    %dma_start3A_50 = tpu.memref_slice %arg8[%dma_start3A_49] : memref<5120xi32, #tpu.memory_space<vmem>> -> memref<1280xi32, #tpu.memory_space<vmem>>
    %dma_start3A_51 = arith.constant 0 : i32
    %dma_start3A_52 = arith.constant 0 : i32
    %dma_start3A_53 = tpu.memref_slice %arg2[%dma_start3A_51, %dma_start3A_52] : memref<10000x32xf32, #tpu.memory_space<hbm>> -> memref<10000x32xf32, #tpu.memory_space<hbm>>
    tpu.enqueue_indirect_dma source(%dma_start3A_53 : memref<10000x32xf32, #tpu.memory_space<hbm>>) target(%arg10 : memref<1280x32xf32, #tpu.memory_space<vmem>>) offsets(%dma_start3A_50 : memref<1280xi32, #tpu.memory_space<vmem>>) semaphore(%arg12 : memref<!tpu.dma_semaphore, #tpu.memory_space<semaphore_mem>>)
    %dma_start3A_54 = arith.constant 2560 : i32
    %dma_start3A_55 = tpu.memref_slice %arg9[%dma_start3A_54] : memref<5120xi32, #tpu.memory_space<vmem>> -> memref<1280xi32, #tpu.memory_space<vmem>>
    %dma_start3A_56 = arith.constant 0 : i32
    %dma_start3A_57 = arith.constant 0 : i32
    %dma_start3A_58 = tpu.memref_slice %arg3[%dma_start3A_56, %dma_start3A_57] : memref<10008x16xf32, #tpu.memory_space<hbm>> -> memref<10008x16xf32, #tpu.memory_space<hbm>>
    tpu.enqueue_indirect_dma source(%dma_start3A_58 : memref<10008x16xf32, #tpu.memory_space<hbm>>) target(%arg11 : memref<1280x16xf32, #tpu.memory_space<vmem>>) offsets(%dma_start3A_55 : memref<1280xi32, #tpu.memory_space<vmem>>) semaphore(%arg12 : memref<!tpu.dma_semaphore, #tpu.memory_space<semaphore_mem>>)
    %dma_wait3A_59 = arith.constant 2560 : i32
    %dma_wait3A_60 = tpu.memref_slice %arg8[%dma_wait3A_59] : memref<5120xi32, #tpu.memory_space<vmem>> -> memref<1280xi32, #tpu.memory_space<vmem>>
    %dma_wait3A_61 = arith.constant 0 : i32
    %dma_wait3A_62 = arith.constant 0 : i32
    %dma_wait3A_63 = tpu.memref_slice %arg2[%dma_wait3A_61, %dma_wait3A_62] : memref<10000x32xf32, #tpu.memory_space<hbm>> -> memref<10000x32xf32, #tpu.memory_space<hbm>>
    tpu.wait_indirect_dma semaphore(%arg12 : memref<!tpu.dma_semaphore, #tpu.memory_space<semaphore_mem>>) src(%dma_wait3A_63 : memref<10000x32xf32, #tpu.memory_space<hbm>>) dst(%arg10 : memref<1280x32xf32, #tpu.memory_space<vmem>>)
    %dma_wait3A_64 = arith.constant 2560 : i32
    %dma_wait3A_65 = tpu.memref_slice %arg9[%dma_wait3A_64] : memref<5120xi32, #tpu.memory_space<vmem>> -> memref<1280xi32, #tpu.memory_space<vmem>>
    %dma_wait3A_66 = arith.constant 0 : i32
    %dma_wait3A_67 = arith.constant 0 : i32
    %dma_wait3A_68 = tpu.memref_slice %arg3[%dma_wait3A_66, %dma_wait3A_67] : memref<10008x16xf32, #tpu.memory_space<hbm>> -> memref<10008x16xf32, #tpu.memory_space<hbm>>
    tpu.wait_indirect_dma semaphore(%arg12 : memref<!tpu.dma_semaphore, #tpu.memory_space<semaphore_mem>>) src(%dma_wait3A_68 : memref<10008x16xf32, #tpu.memory_space<hbm>>) dst(%arg11 : memref<1280x16xf32, #tpu.memory_space<vmem>>)
    %add3A_69 = arith.constant 2560 : i32
    %add3A_70 = arith.addi %mul3A_2, %add3A_69 : i32
    "tpu.region"() ({
      %run_scoped3A = tpu.sem_alloc : memref<!tpu.dma_semaphore, #tpu.memory_space<semaphore_mem>>
      %dma_start3A_97 = arith.constant 0 : i32
      %dma_start3A_98 = tpu.memref_slice %arg6[%add3A_70, %dma_start3A_97] : memref<163840x32xf32, #tpu.memory_space<hbm>> -> memref<1280x32xf32, #tpu.memory_space<hbm>>
      %dma_start3A_99 = arith.constant 0 : i32
      %dma_start3A_100 = tpu.memref_slice %arg6[%add3A_70, %dma_start3A_99] : memref<163840x32xf32, #tpu.memory_space<hbm>> -> memref<1280x32xf32, #tpu.memory_space<hbm>>
      tpu.enqueue_dma source(%arg10 : memref<1280x32xf32, #tpu.memory_space<vmem>>) target(%dma_start3A_100 : memref<1280x32xf32, #tpu.memory_space<hbm>>) target_semaphore(%run_scoped3A : memref<!tpu.dma_semaphore, #tpu.memory_space<semaphore_mem>>)
      %dma_wait3A_101 = arith.constant 0 : i32
      %dma_wait3A_102 = tpu.memref_slice %arg6[%add3A_70, %dma_wait3A_101] : memref<163840x32xf32, #tpu.memory_space<hbm>> -> memref<1280x32xf32, #tpu.memory_space<hbm>>
      %dma_wait3A_103 = arith.constant 0 : i32
      %dma_wait3A_104 = tpu.memref_slice %arg6[%add3A_70, %dma_wait3A_103] : memref<163840x32xf32, #tpu.memory_space<hbm>> -> memref<1280x32xf32, #tpu.memory_space<hbm>>
      tpu.wait_dma2 semaphore(%run_scoped3A : memref<!tpu.dma_semaphore, #tpu.memory_space<semaphore_mem>>) src(%arg10 : memref<1280x32xf32, #tpu.memory_space<vmem>>) dst(%dma_wait3A_104 : memref<1280x32xf32, #tpu.memory_space<hbm>>)
      tpu.yield
    }) : () -> ()
    %add3A_71 = arith.constant 2560 : i32
    %add3A_72 = arith.addi %mul3A_2, %add3A_71 : i32
    "tpu.region"() ({
      %run_scoped3A = tpu.sem_alloc : memref<!tpu.dma_semaphore, #tpu.memory_space<semaphore_mem>>
      %dma_start3A_97 = arith.constant 0 : i32
      %dma_start3A_98 = tpu.memref_slice %arg7[%add3A_72, %dma_start3A_97] : memref<163840x16xf32, #tpu.memory_space<hbm>> -> memref<1280x16xf32, #tpu.memory_space<hbm>>
      %dma_start3A_99 = arith.constant 0 : i32
      %dma_start3A_100 = tpu.memref_slice %arg7[%add3A_72, %dma_start3A_99] : memref<163840x16xf32, #tpu.memory_space<hbm>> -> memref<1280x16xf32, #tpu.memory_space<hbm>>
      tpu.enqueue_dma source(%arg11 : memref<1280x16xf32, #tpu.memory_space<vmem>>) target(%dma_start3A_100 : memref<1280x16xf32, #tpu.memory_space<hbm>>) target_semaphore(%run_scoped3A : memref<!tpu.dma_semaphore, #tpu.memory_space<semaphore_mem>>)
      %dma_wait3A_101 = arith.constant 0 : i32
      %dma_wait3A_102 = tpu.memref_slice %arg7[%add3A_72, %dma_wait3A_101] : memref<163840x16xf32, #tpu.memory_space<hbm>> -> memref<1280x16xf32, #tpu.memory_space<hbm>>
      %dma_wait3A_103 = arith.constant 0 : i32
      %dma_wait3A_104 = tpu.memref_slice %arg7[%add3A_72, %dma_wait3A_103] : memref<163840x16xf32, #tpu.memory_space<hbm>> -> memref<1280x16xf32, #tpu.memory_space<hbm>>
      tpu.wait_dma2 semaphore(%run_scoped3A : memref<!tpu.dma_semaphore, #tpu.memory_space<semaphore_mem>>) src(%arg11 : memref<1280x16xf32, #tpu.memory_space<vmem>>) dst(%dma_wait3A_104 : memref<1280x16xf32, #tpu.memory_space<hbm>>)
      tpu.yield
    }) : () -> ()
    %dma_start3A_73 = arith.constant 3840 : i32
    %dma_start3A_74 = tpu.memref_slice %arg8[%dma_start3A_73] : memref<5120xi32, #tpu.memory_space<vmem>> -> memref<1280xi32, #tpu.memory_space<vmem>>
    %dma_start3A_75 = arith.constant 0 : i32
    %dma_start3A_76 = arith.constant 0 : i32
    %dma_start3A_77 = tpu.memref_slice %arg2[%dma_start3A_75, %dma_start3A_76] : memref<10000x32xf32, #tpu.memory_space<hbm>> -> memref<10000x32xf32, #tpu.memory_space<hbm>>
    tpu.enqueue_indirect_dma source(%dma_start3A_77 : memref<10000x32xf32, #tpu.memory_space<hbm>>) target(%arg10 : memref<1280x32xf32, #tpu.memory_space<vmem>>) offsets(%dma_start3A_74 : memref<1280xi32, #tpu.memory_space<vmem>>) semaphore(%arg12 : memref<!tpu.dma_semaphore, #tpu.memory_space<semaphore_mem>>)
    %dma_start3A_78 = arith.constant 3840 : i32
    %dma_start3A_79 = tpu.memref_slice %arg9[%dma_start3A_78] : memref<5120xi32, #tpu.memory_space<vmem>> -> memref<1280xi32, #tpu.memory_space<vmem>>
    %dma_start3A_80 = arith.constant 0 : i32
    %dma_start3A_81 = arith.constant 0 : i32
    %dma_start3A_82 = tpu.memref_slice %arg3[%dma_start3A_80, %dma_start3A_81] : memref<10008x16xf32, #tpu.memory_space<hbm>> -> memref<10008x16xf32, #tpu.memory_space<hbm>>
    tpu.enqueue_indirect_dma source(%dma_start3A_82 : memref<10008x16xf32, #tpu.memory_space<hbm>>) target(%arg11 : memref<1280x16xf32, #tpu.memory_space<vmem>>) offsets(%dma_start3A_79 : memref<1280xi32, #tpu.memory_space<vmem>>) semaphore(%arg12 : memref<!tpu.dma_semaphore, #tpu.memory_space<semaphore_mem>>)
    %dma_wait3A_83 = arith.constant 3840 : i32
    %dma_wait3A_84 = tpu.memref_slice %arg8[%dma_wait3A_83] : memref<5120xi32, #tpu.memory_space<vmem>> -> memref<1280xi32, #tpu.memory_space<vmem>>
    %dma_wait3A_85 = arith.constant 0 : i32
    %dma_wait3A_86 = arith.constant 0 : i32
    %dma_wait3A_87 = tpu.memref_slice %arg2[%dma_wait3A_85, %dma_wait3A_86] : memref<10000x32xf32, #tpu.memory_space<hbm>> -> memref<10000x32xf32, #tpu.memory_space<hbm>>
    tpu.wait_indirect_dma semaphore(%arg12 : memref<!tpu.dma_semaphore, #tpu.memory_space<semaphore_mem>>) src(%dma_wait3A_87 : memref<10000x32xf32, #tpu.memory_space<hbm>>) dst(%arg10 : memref<1280x32xf32, #tpu.memory_space<vmem>>)
    %dma_wait3A_88 = arith.constant 3840 : i32
    %dma_wait3A_89 = tpu.memref_slice %arg9[%dma_wait3A_88] : memref<5120xi32, #tpu.memory_space<vmem>> -> memref<1280xi32, #tpu.memory_space<vmem>>
    %dma_wait3A_90 = arith.constant 0 : i32
    %dma_wait3A_91 = arith.constant 0 : i32
    %dma_wait3A_92 = tpu.memref_slice %arg3[%dma_wait3A_90, %dma_wait3A_91] : memref<10008x16xf32, #tpu.memory_space<hbm>> -> memref<10008x16xf32, #tpu.memory_space<hbm>>
    tpu.wait_indirect_dma semaphore(%arg12 : memref<!tpu.dma_semaphore, #tpu.memory_space<semaphore_mem>>) src(%dma_wait3A_92 : memref<10008x16xf32, #tpu.memory_space<hbm>>) dst(%arg11 : memref<1280x16xf32, #tpu.memory_space<vmem>>)
    %add3A_93 = arith.constant 3840 : i32
    %add3A_94 = arith.addi %mul3A_2, %add3A_93 : i32
    "tpu.region"() ({
      %run_scoped3A = tpu.sem_alloc : memref<!tpu.dma_semaphore, #tpu.memory_space<semaphore_mem>>
      %dma_start3A_97 = arith.constant 0 : i32
      %dma_start3A_98 = tpu.memref_slice %arg6[%add3A_94, %dma_start3A_97] : memref<163840x32xf32, #tpu.memory_space<hbm>> -> memref<1280x32xf32, #tpu.memory_space<hbm>>
      %dma_start3A_99 = arith.constant 0 : i32
      %dma_start3A_100 = tpu.memref_slice %arg6[%add3A_94, %dma_start3A_99] : memref<163840x32xf32, #tpu.memory_space<hbm>> -> memref<1280x32xf32, #tpu.memory_space<hbm>>
      tpu.enqueue_dma source(%arg10 : memref<1280x32xf32, #tpu.memory_space<vmem>>) target(%dma_start3A_100 : memref<1280x32xf32, #tpu.memory_space<hbm>>) target_semaphore(%run_scoped3A : memref<!tpu.dma_semaphore, #tpu.memory_space<semaphore_mem>>)
      %dma_wait3A_101 = arith.constant 0 : i32
      %dma_wait3A_102 = tpu.memref_slice %arg6[%add3A_94, %dma_wait3A_101] : memref<163840x32xf32, #tpu.memory_space<hbm>> -> memref<1280x32xf32, #tpu.memory_space<hbm>>
      %dma_wait3A_103 = arith.constant 0 : i32
      %dma_wait3A_104 = tpu.memref_slice %arg6[%add3A_94, %dma_wait3A_103] : memref<163840x32xf32, #tpu.memory_space<hbm>> -> memref<1280x32xf32, #tpu.memory_space<hbm>>
      tpu.wait_dma2 semaphore(%run_scoped3A : memref<!tpu.dma_semaphore, #tpu.memory_space<semaphore_mem>>) src(%arg10 : memref<1280x32xf32, #tpu.memory_space<vmem>>) dst(%dma_wait3A_104 : memref<1280x32xf32, #tpu.memory_space<hbm>>)
      tpu.yield
    }) : () -> ()
    %add3A_95 = arith.constant 3840 : i32
    %add3A_96 = arith.addi %mul3A_2, %add3A_95 : i32
    "tpu.region"() ({
      %run_scoped3A = tpu.sem_alloc : memref<!tpu.dma_semaphore, #tpu.memory_space<semaphore_mem>>
      %dma_start3A_97 = arith.constant 0 : i32
      %dma_start3A_98 = tpu.memref_slice %arg7[%add3A_96, %dma_start3A_97] : memref<163840x16xf32, #tpu.memory_space<hbm>> -> memref<1280x16xf32, #tpu.memory_space<hbm>>
      %dma_start3A_99 = arith.constant 0 : i32
      %dma_start3A_100 = tpu.memref_slice %arg7[%add3A_96, %dma_start3A_99] : memref<163840x16xf32, #tpu.memory_space<hbm>> -> memref<1280x16xf32, #tpu.memory_space<hbm>>
      tpu.enqueue_dma source(%arg11 : memref<1280x16xf32, #tpu.memory_space<vmem>>) target(%dma_start3A_100 : memref<1280x16xf32, #tpu.memory_space<hbm>>) target_semaphore(%run_scoped3A : memref<!tpu.dma_semaphore, #tpu.memory_space<semaphore_mem>>)
      %dma_wait3A_101 = arith.constant 0 : i32
      %dma_wait3A_102 = tpu.memref_slice %arg7[%add3A_96, %dma_wait3A_101] : memref<163840x16xf32, #tpu.memory_space<hbm>> -> memref<1280x16xf32, #tpu.memory_space<hbm>>
      %dma_wait3A_103 = arith.constant 0 : i32
      %dma_wait3A_104 = tpu.memref_slice %arg7[%add3A_96, %dma_wait3A_103] : memref<163840x16xf32, #tpu.memory_space<hbm>> -> memref<1280x16xf32, #tpu.memory_space<hbm>>
      tpu.wait_dma2 semaphore(%run_scoped3A : memref<!tpu.dma_semaphore, #tpu.memory_space<semaphore_mem>>) src(%arg11 : memref<1280x16xf32, #tpu.memory_space<vmem>>) dst(%dma_wait3A_104 : memref<1280x16xf32, #tpu.memory_space<hbm>>)
      tpu.yield
    }) : () -> ()
    return
  }
}

#map = affine_map<(d0, d1) -> (0, 0)>
#map1 = affine_map<(d0, d1) -> (0, 0, 0)>
module attributes {stable_mosaic.version = 14 : i64} {
  func.func @_scatter_sc(%arg0: i32, %arg1: i32, %arg2: memref<163840x16xf32, #tpu.memory_space<hbm>>, %arg3: memref<32x40x128xi32, #tpu.memory_space<hbm>>, %arg4: memref<10000x16xf32, #tpu.memory_space<hbm>>, %arg5: memref<2x10000x16xf32, #tpu.memory_space<hbm>>, %arg6: memref<40x128xi32, #tpu.memory_space<vmem>>, %arg7: memref<128x16xf32, #tpu.memory_space<vmem>>, %arg8: memref<10008x16xf32, #tpu.memory_space<vmem_shared>>) attributes {dimension_semantics = [#tpu.dimension_semantics<core_parallel>, #tpu.dimension_semantics<subcore_parallel>], iteration_bounds = array<i64: 2, 16>, scalar_prefetch = 0 : i64, scratch_operands = 3 : i64, tpu.core_type = #tpu.core_type<sc_vector_subcore>, window_params = [{transform_indices = #map}, {transform_indices = #map1}, {transform_indices = #map}, {transform_indices = #map1}]} {
    %mul3A = arith.constant 2 : i32
    %mul3A_0 = arith.muli %arg1, %mul3A : i32
    %add3A = arith.addi %mul3A_0, %arg0 : i32
    %mul3A_1 = arith.constant 625 : i32
    %mul3A_2 = arith.muli %arg1, %mul3A_1 : i32
    %mul3A_3 = arith.constant 625 : i32
    %mul3A_4 = arith.muli %arg1, %mul3A_3 : i32
    "tpu.region"() ({
      %run_scoped3A = tpu.sem_alloc : memref<!tpu.dma_semaphore, #tpu.memory_space<semaphore_mem>>
      %dma_start3A = arith.constant 0 : i32
      %dma_start3A_15 = tpu.memref_slice %arg8[%mul3A_4, %dma_start3A] : memref<10008x16xf32, #tpu.memory_space<vmem_shared>> -> memref<625x16xf32, #tpu.memory_space<vmem_shared>>
      %dma_start3A_16 = arith.constant 0 : i32
      %dma_start3A_17 = tpu.memref_slice %arg4[%mul3A_2, %dma_start3A_16] : memref<10000x16xf32, #tpu.memory_space<hbm>> -> memref<625x16xf32, #tpu.memory_space<hbm>>
      tpu.enqueue_dma source(%dma_start3A_17 : memref<625x16xf32, #tpu.memory_space<hbm>>) target(%dma_start3A_15 : memref<625x16xf32, #tpu.memory_space<vmem_shared>>) target_semaphore(%run_scoped3A : memref<!tpu.dma_semaphore, #tpu.memory_space<semaphore_mem>>)
      %dma_wait3A = arith.constant 0 : i32
      %dma_wait3A_18 = tpu.memref_slice %arg8[%mul3A_4, %dma_wait3A] : memref<10008x16xf32, #tpu.memory_space<vmem_shared>> -> memref<625x16xf32, #tpu.memory_space<vmem_shared>>
      %dma_wait3A_19 = arith.constant 0 : i32
      %dma_wait3A_20 = tpu.memref_slice %arg4[%mul3A_2, %dma_wait3A_19] : memref<10000x16xf32, #tpu.memory_space<hbm>> -> memref<625x16xf32, #tpu.memory_space<hbm>>
      tpu.wait_dma2 semaphore(%run_scoped3A : memref<!tpu.dma_semaphore, #tpu.memory_space<semaphore_mem>>) src(%dma_wait3A_20 : memref<625x16xf32, #tpu.memory_space<hbm>>) dst(%dma_wait3A_18 : memref<625x16xf32, #tpu.memory_space<vmem_shared>>)
      tpu.yield
    }) : () -> ()
    "tpu.region"() ({
      %run_scoped3A = tpu.sem_alloc : memref<!tpu.dma_semaphore, #tpu.memory_space<semaphore_mem>>
      %dma_start3A = arith.constant 0 : i32
      %dma_start3A_15 = arith.constant 0 : i32
      %dma_start3A_16 = tpu.memref_slice %arg3[%add3A, %dma_start3A, %dma_start3A_15] : memref<32x40x128xi32, #tpu.memory_space<hbm>> -> memref<1x40x128xi32, #tpu.memory_space<hbm>>
      %dma_start3A_17 = tpu.memref_squeeze %dma_start3A_16 : memref<1x40x128xi32, #tpu.memory_space<hbm>> -> memref<40x128xi32, #tpu.memory_space<hbm>>
      %dma_start3A_18 = arith.constant 0 : i32
      %dma_start3A_19 = arith.constant 0 : i32
      %dma_start3A_20 = tpu.memref_slice %arg3[%add3A, %dma_start3A_18, %dma_start3A_19] : memref<32x40x128xi32, #tpu.memory_space<hbm>> -> memref<1x40x128xi32, #tpu.memory_space<hbm>>
      %dma_start3A_21 = tpu.memref_squeeze %dma_start3A_20 : memref<1x40x128xi32, #tpu.memory_space<hbm>> -> memref<40x128xi32, #tpu.memory_space<hbm>>
      tpu.enqueue_dma source(%dma_start3A_21 : memref<40x128xi32, #tpu.memory_space<hbm>>) target(%arg6 : memref<40x128xi32, #tpu.memory_space<vmem>>) target_semaphore(%run_scoped3A : memref<!tpu.dma_semaphore, #tpu.memory_space<semaphore_mem>>)
      %dma_wait3A = arith.constant 0 : i32
      %dma_wait3A_22 = arith.constant 0 : i32
      %dma_wait3A_23 = tpu.memref_slice %arg3[%add3A, %dma_wait3A, %dma_wait3A_22] : memref<32x40x128xi32, #tpu.memory_space<hbm>> -> memref<1x40x128xi32, #tpu.memory_space<hbm>>
      %dma_wait3A_24 = tpu.memref_squeeze %dma_wait3A_23 : memref<1x40x128xi32, #tpu.memory_space<hbm>> -> memref<40x128xi32, #tpu.memory_space<hbm>>
      %dma_wait3A_25 = arith.constant 0 : i32
      %dma_wait3A_26 = arith.constant 0 : i32
      %dma_wait3A_27 = tpu.memref_slice %arg3[%add3A, %dma_wait3A_25, %dma_wait3A_26] : memref<32x40x128xi32, #tpu.memory_space<hbm>> -> memref<1x40x128xi32, #tpu.memory_space<hbm>>
      %dma_wait3A_28 = tpu.memref_squeeze %dma_wait3A_27 : memref<1x40x128xi32, #tpu.memory_space<hbm>> -> memref<40x128xi32, #tpu.memory_space<hbm>>
      tpu.wait_dma2 semaphore(%run_scoped3A : memref<!tpu.dma_semaphore, #tpu.memory_space<semaphore_mem>>) src(%dma_wait3A_28 : memref<40x128xi32, #tpu.memory_space<hbm>>) dst(%arg6 : memref<40x128xi32, #tpu.memory_space<vmem>>)
      tpu.yield
    }) : () -> ()
    %barrier3A = arith.constant 0 : index
    tpu.barrier barrier_id(%barrier3A)
    %scan3A = arith.constant 0 : i32
    %scan3A_5 = arith.constant 0 : i32
    %scan3A_6 = arith.constant 40 : i32
    %scan3A_7 = arith.addi %scan3A_5, %scan3A_6 : i32
    %scan3A_8 = arith.constant 1 : i32
    scf.for %scan3A_15 = %scan3A_5 to %scan3A_7 step %scan3A_8  : i32 {
      %mul3A_16 = arith.constant 5120 : i32
      %mul3A_17 = arith.muli %add3A, %mul3A_16 : i32
      %mul3A_18 = arith.constant 128 : i32
      %mul3A_19 = arith.muli %scan3A_15, %mul3A_18 : i32
      %add3A_20 = arith.addi %mul3A_17, %mul3A_19 : i32
      "tpu.region"() ({
        %run_scoped3A = tpu.sem_alloc : memref<!tpu.dma_semaphore, #tpu.memory_space<semaphore_mem>>
        %dma_start3A = arith.constant 0 : i32
        %dma_start3A_21 = tpu.memref_slice %arg2[%add3A_20, %dma_start3A] : memref<163840x16xf32, #tpu.memory_space<hbm>> -> memref<128x16xf32, #tpu.memory_space<hbm>>
        %dma_start3A_22 = arith.constant 0 : i32
        %dma_start3A_23 = tpu.memref_slice %arg2[%add3A_20, %dma_start3A_22] : memref<163840x16xf32, #tpu.memory_space<hbm>> -> memref<128x16xf32, #tpu.memory_space<hbm>>
        tpu.enqueue_dma source(%dma_start3A_23 : memref<128x16xf32, #tpu.memory_space<hbm>>) target(%arg7 : memref<128x16xf32, #tpu.memory_space<vmem>>) target_semaphore(%run_scoped3A : memref<!tpu.dma_semaphore, #tpu.memory_space<semaphore_mem>>)
        %dma_wait3A = arith.constant 0 : i32
        %dma_wait3A_24 = tpu.memref_slice %arg2[%add3A_20, %dma_wait3A] : memref<163840x16xf32, #tpu.memory_space<hbm>> -> memref<128x16xf32, #tpu.memory_space<hbm>>
        %dma_wait3A_25 = arith.constant 0 : i32
        %dma_wait3A_26 = tpu.memref_slice %arg2[%add3A_20, %dma_wait3A_25] : memref<163840x16xf32, #tpu.memory_space<hbm>> -> memref<128x16xf32, #tpu.memory_space<hbm>>
        tpu.wait_dma2 semaphore(%run_scoped3A : memref<!tpu.dma_semaphore, #tpu.memory_space<semaphore_mem>>) src(%dma_wait3A_26 : memref<128x16xf32, #tpu.memory_space<hbm>>) dst(%arg7 : memref<128x16xf32, #tpu.memory_space<vmem>>)
        tpu.yield
      }) : () -> ()
      "tpu.region"() ({
        %run_scoped3A = tpu.sem_alloc : memref<!tpu.dma_semaphore, #tpu.memory_space<semaphore_mem>>
        %dma_start3A = arith.constant 0 : i32
        %dma_start3A_21 = tpu.memref_slice %arg6[%scan3A_15, %dma_start3A] : memref<40x128xi32, #tpu.memory_space<vmem>> -> memref<1x128xi32, #tpu.memory_space<vmem>>
        %dma_start3A_22 = tpu.memref_squeeze %dma_start3A_21 : memref<1x128xi32, #tpu.memory_space<vmem>> -> memref<128xi32, #tpu.memory_space<vmem>>
        %dma_start3A_23 = arith.constant 0 : i32
        %dma_start3A_24 = arith.constant 0 : i32
        %dma_start3A_25 = tpu.memref_slice %arg8[%dma_start3A_23, %dma_start3A_24] : memref<10008x16xf32, #tpu.memory_space<vmem_shared>> -> memref<10008x16xf32, #tpu.memory_space<vmem_shared>>
        tpu.enqueue_indirect_dma source(%arg7 : memref<128x16xf32, #tpu.memory_space<vmem>>) target(%dma_start3A_25 : memref<10008x16xf32, #tpu.memory_space<vmem_shared>>) offsets(%dma_start3A_22 : memref<128xi32, #tpu.memory_space<vmem>>) semaphore(%run_scoped3A : memref<!tpu.dma_semaphore, #tpu.memory_space<semaphore_mem>>) {add = true}
        %dma_wait3A = arith.constant 0 : i32
        %dma_wait3A_26 = tpu.memref_slice %arg6[%scan3A_15, %dma_wait3A] : memref<40x128xi32, #tpu.memory_space<vmem>> -> memref<1x128xi32, #tpu.memory_space<vmem>>
        %dma_wait3A_27 = tpu.memref_squeeze %dma_wait3A_26 : memref<1x128xi32, #tpu.memory_space<vmem>> -> memref<128xi32, #tpu.memory_space<vmem>>
        %dma_wait3A_28 = arith.constant 0 : i32
        %dma_wait3A_29 = arith.constant 0 : i32
        %dma_wait3A_30 = tpu.memref_slice %arg8[%dma_wait3A_28, %dma_wait3A_29] : memref<10008x16xf32, #tpu.memory_space<vmem_shared>> -> memref<10008x16xf32, #tpu.memory_space<vmem_shared>>
        tpu.wait_indirect_dma semaphore(%run_scoped3A : memref<!tpu.dma_semaphore, #tpu.memory_space<semaphore_mem>>) src(%arg7 : memref<128x16xf32, #tpu.memory_space<vmem>>) dst(%dma_wait3A_30 : memref<10008x16xf32, #tpu.memory_space<vmem_shared>>)
        tpu.yield
      }) : () -> ()
    }
    %scan3A_9 = arith.constant 40 : i32
    %barrier3A_10 = arith.constant 0 : index
    tpu.barrier barrier_id(%barrier3A_10)
    %mul3A_11 = arith.constant 625 : i32
    %mul3A_12 = arith.muli %arg1, %mul3A_11 : i32
    %mul3A_13 = arith.constant 625 : i32
    %mul3A_14 = arith.muli %arg1, %mul3A_13 : i32
    "tpu.region"() ({
      %run_scoped3A = tpu.sem_alloc : memref<!tpu.dma_semaphore, #tpu.memory_space<semaphore_mem>>
      %dma_start3A = arith.constant 0 : i32
      %dma_start3A_15 = tpu.memref_slice %arg5[%arg0, %mul3A_14, %dma_start3A] : memref<2x10000x16xf32, #tpu.memory_space<hbm>> -> memref<1x625x16xf32, #tpu.memory_space<hbm>>
      %dma_start3A_16 = tpu.memref_squeeze %dma_start3A_15 : memref<1x625x16xf32, #tpu.memory_space<hbm>> -> memref<625x16xf32, #tpu.memory_space<hbm>>
      %dma_start3A_17 = arith.constant 0 : i32
      %dma_start3A_18 = tpu.memref_slice %arg8[%mul3A_12, %dma_start3A_17] : memref<10008x16xf32, #tpu.memory_space<vmem_shared>> -> memref<625x16xf32, #tpu.memory_space<vmem_shared>>
      tpu.enqueue_dma source(%dma_start3A_18 : memref<625x16xf32, #tpu.memory_space<vmem_shared>>) target(%dma_start3A_16 : memref<625x16xf32, #tpu.memory_space<hbm>>) target_semaphore(%run_scoped3A : memref<!tpu.dma_semaphore, #tpu.memory_space<semaphore_mem>>)
      %dma_wait3A = arith.constant 0 : i32
      %dma_wait3A_19 = tpu.memref_slice %arg5[%arg0, %mul3A_14, %dma_wait3A] : memref<2x10000x16xf32, #tpu.memory_space<hbm>> -> memref<1x625x16xf32, #tpu.memory_space<hbm>>
      %dma_wait3A_20 = tpu.memref_squeeze %dma_wait3A_19 : memref<1x625x16xf32, #tpu.memory_space<hbm>> -> memref<625x16xf32, #tpu.memory_space<hbm>>
      %dma_wait3A_21 = arith.constant 0 : i32
      %dma_wait3A_22 = tpu.memref_slice %arg8[%mul3A_12, %dma_wait3A_21] : memref<10008x16xf32, #tpu.memory_space<vmem_shared>> -> memref<625x16xf32, #tpu.memory_space<vmem_shared>>
      tpu.wait_dma2 semaphore(%run_scoped3A : memref<!tpu.dma_semaphore, #tpu.memory_space<semaphore_mem>>) src(%dma_wait3A_22 : memref<625x16xf32, #tpu.memory_space<vmem_shared>>) dst(%dma_wait3A_20 : memref<625x16xf32, #tpu.memory_space<hbm>>)
      tpu.yield
    }) : () -> ()
    return
  }
}

module attributes {stable_mosaic.version = 14 : i64} {
  func.func @_edge_body(%arg0: i32, %arg1: memref<4096x32xf32, #tpu.memory_space<vmem>>, %arg2: memref<4096x16xf32, #tpu.memory_space<vmem>>, %arg3: memref<20x20xf32, #tpu.memory_space<vmem>>, %arg4: memref<20x256xf32, #tpu.memory_space<vmem>>, %arg5: memref<4096x16xf32, #tpu.memory_space<vmem>>) attributes {dimension_semantics = [#tpu.dimension_semantics<arbitrary>], iteration_bounds = array<i64: 40>, scalar_prefetch = 0 : i64, scratch_operands = 0 : i64, tpu.core_type = #tpu.core_type<tc>, window_params = [{transform_indices = @transform_0, window_bounds = array<i64: 4096, 32>}, {transform_indices = @transform_1, window_bounds = array<i64: 4096, 16>}, {pipeline_mode = #tpu.pipeline_mode<synchronous>, transform_indices = @transform_2, window_bounds = array<i64: 20, 20>}, {pipeline_mode = #tpu.pipeline_mode<synchronous>, transform_indices = @transform_3, window_bounds = array<i64: 20, 256>}, {transform_indices = @transform_4, window_bounds = array<i64: 4096, 16>}]} {
    %get3A = arith.constant 0 : index
    %get3A_0 = arith.constant 0 : index
    %get3A_1 = vector.load %arg1[%get3A, %get3A_0] : memref<4096x32xf32, #tpu.memory_space<vmem>>, vector<4096x32xf32>
    %get3A_2 = arith.constant 0 : index
    %get3A_3 = arith.constant 0 : index
    %get3A_4 = vector.load %arg2[%get3A_2, %get3A_3] : memref<4096x16xf32, #tpu.memory_space<vmem>>, vector<4096x16xf32>
    %slice3A = vector.extract_strided_slice %get3A_1 {offsets = [0, 0], sizes = [4096, 16], strides = [1, 1]} : vector<4096x32xf32> to vector<4096x16xf32>
    %sub3A = arith.subf %get3A_4, %slice3A : vector<4096x16xf32>
    %slice3A_5 = vector.extract_strided_slice %get3A_1 {offsets = [0, 16], sizes = [4096, 16], strides = [1, 1]} : vector<4096x32xf32> to vector<4096x16xf32>
    %mul3A = arith.mulf %sub3A, %sub3A : vector<4096x16xf32>
    %reduce_sum3A = arith.constant dense<0.000000e+00> : vector<4096xf32>
    %reduce_sum3A_6 = vector.multi_reduction <add>, %mul3A, %reduce_sum3A [1] : vector<4096x16xf32> to vector<4096xf32>
    %broadcast_in_dim3A = vector.shape_cast %reduce_sum3A_6 : vector<4096xf32> to vector<4096x1xf32>
    %transpose3A = tpu.transpose %broadcast_in_dim3A, [1, 0] : vector<4096x1xf32> -> vector<1x4096xf32>
    %add3A = arith.constant 9.99999996E-13 : f32
    %add3A_7 = vector.broadcast %add3A : f32 to vector<1x4096xf32>
    %add3A_8 = arith.addf %transpose3A, %add3A_7 : vector<1x4096xf32>
    %sqrt3A = math.sqrt %add3A_8 : vector<1x4096xf32>
    %iota3A = tpu.iota {dimensions = array<i32: 0>} : vector<20x4096xi32>
    %convert_element_type3A = arith.sitofp %iota3A : vector<20x4096xi32> to vector<20x4096xf32>
    %mul3A_9 = arith.constant 4.200000e+00 : f32
    %mul3A_10 = vector.broadcast %mul3A_9 : f32 to vector<1x4096xf32>
    %mul3A_11 = arith.mulf %sqrt3A, %mul3A_10 : vector<1x4096xf32>
    %add3A_12 = arith.constant 1.000000e+00 : f32
    %add3A_13 = vector.broadcast %add3A_12 : f32 to vector<20x4096xf32>
    %add3A_14 = arith.addf %convert_element_type3A, %add3A_13 : vector<20x4096xf32>
    %sub3A_15 = vector.broadcast %mul3A_11 : vector<1x4096xf32> to vector<20x4096xf32>
    %sub3A_16 = arith.subf %sub3A_15, %add3A_14 : vector<20x4096xf32>
    %gt3A = arith.constant -1.000000e+00 : f32
    %gt3A_17 = vector.broadcast %gt3A : f32 to vector<20x4096xf32>
    %gt3A_18 = arith.cmpf ogt, %sub3A_16, %gt3A_17 : vector<20x4096xf32>
    %lt3A = arith.constant 1.000000e+00 : f32
    %lt3A_19 = vector.broadcast %lt3A : f32 to vector<20x4096xf32>
    %lt3A_20 = arith.cmpf olt, %sub3A_16, %lt3A_19 : vector<20x4096xf32>
    %and3A = arith.andi %gt3A_18, %lt3A_20 : vector<20x4096xi1>
    %add3A_21 = arith.constant 1.000000e+00 : f32
    %add3A_22 = vector.broadcast %add3A_21 : f32 to vector<20x4096xf32>
    %add3A_23 = arith.addf %sub3A_16, %add3A_22 : vector<20x4096xf32>
    %jit3A = arith.constant 1.000000e+00 : f32
    %broadcast_in_dim3A_24 = vector.broadcast %jit3A : f32 to vector<20x4096xf32>
    %select_n3A = arith.select %and3A, %add3A_23, %broadcast_in_dim3A_24 : vector<20x4096xi1>, vector<20x4096xf32>
    %sub3A_25 = arith.constant 1.000000e+00 : f32
    %sub3A_26 = vector.broadcast %sub3A_25 : f32 to vector<20x4096xf32>
    %sub3A_27 = arith.subf %sub3A_26, %sub3A_16 : vector<20x4096xf32>
    %jit3A_28 = arith.constant 1.000000e+00 : f32
    %broadcast_in_dim3A_29 = vector.broadcast %jit3A_28 : f32 to vector<20x4096xf32>
    %select_n3A_30 = arith.select %and3A, %sub3A_27, %broadcast_in_dim3A_29 : vector<20x4096xi1>, vector<20x4096xf32>
    %div3A = arith.constant 1.000000e+00 : f32
    %div3A_31 = vector.broadcast %div3A : f32 to vector<20x4096xf32>
    %div3A_32 = arith.divf %div3A_31, %select_n3A : vector<20x4096xf32>
    %div3A_33 = arith.constant 1.000000e+00 : f32
    %div3A_34 = vector.broadcast %div3A_33 : f32 to vector<20x4096xf32>
    %div3A_35 = arith.divf %div3A_34, %select_n3A_30 : vector<20x4096xf32>
    %add3A_36 = arith.addf %div3A_32, %div3A_35 : vector<20x4096xf32>
    %neg3A = arith.constant 0.000000e+00 : f32
    %neg3A_37 = vector.broadcast %neg3A : f32 to vector<20x4096xf32>
    %neg3A_38 = arith.subf %neg3A_37, %add3A_36 : vector<20x4096xf32>
    %exp3A = math.exp %neg3A_38 : vector<20x4096xf32>
    %mul3A_39 = arith.constant 37.7160835 : f32
    %mul3A_40 = vector.broadcast %mul3A_39 : f32 to vector<20x4096xf32>
    %mul3A_41 = arith.mulf %mul3A_40, %exp3A : vector<20x4096xf32>
    %jit3A_42 = arith.constant 0.000000e+00 : f32
    %broadcast_in_dim3A_43 = vector.broadcast %jit3A_42 : f32 to vector<20x4096xf32>
    %select_n3A_44 = arith.select %and3A, %mul3A_41, %broadcast_in_dim3A_43 : vector<20x4096xi1>, vector<20x4096xf32>
    %get3A_45 = arith.constant 0 : index
    %get3A_46 = arith.constant 0 : index
    %get3A_47 = vector.load %arg3[%get3A_45, %get3A_46] : memref<20x20xf32, #tpu.memory_space<vmem>>, vector<20x20xf32>
    %mul3A_48 = arith.constant 0.223606795 : f32
    %mul3A_49 = vector.broadcast %mul3A_48 : f32 to vector<20x20xf32>
    %mul3A_50 = arith.mulf %get3A_47, %mul3A_49 : vector<20x20xf32>
    %dot_general3A = arith.constant dense<0.000000e+00> : vector<20x4096xf32>
    %dot_general3A_51 = tpu.matmul %mul3A_50, %select_n3A_44, %dot_general3A {dimension_numbers = #tpu.dot_dimension_numbers<[0], [0], [1], [1], [0, 1, 1, 1], [], []>, precision = #tpu.contract_precision<fp32>, transpose_lhs_hint = false} : vector<20x20xf32>, vector<20x4096xf32>, vector<20x4096xf32> -> vector<20x4096xf32>
    %max3A = arith.constant 0.000000e+00 : f32
    %max3A_52 = vector.broadcast %max3A : f32 to vector<20x4096xf32>
    %max3A_53 = arith.maximumf %dot_general3A_51, %max3A_52 : vector<20x4096xf32>
    %mul3A_54 = arith.constant 1.41421354 : f32
    %mul3A_55 = vector.broadcast %mul3A_54 : f32 to vector<20x4096xf32>
    %mul3A_56 = arith.mulf %max3A_53, %mul3A_55 : vector<20x4096xf32>
    %get3A_57 = arith.constant 0 : index
    %get3A_58 = arith.constant 0 : index
    %get3A_59 = vector.load %arg4[%get3A_57, %get3A_58] : memref<20x256xf32, #tpu.memory_space<vmem>>, vector<20x256xf32>
    %mul3A_60 = arith.constant 0.223606795 : f32
    %mul3A_61 = vector.broadcast %mul3A_60 : f32 to vector<20x256xf32>
    %mul3A_62 = arith.mulf %get3A_59, %mul3A_61 : vector<20x256xf32>
    %dot_general3A_63 = arith.constant dense<0.000000e+00> : vector<4096x256xf32>
    %dot_general3A_64 = tpu.matmul %mul3A_56, %mul3A_62, %dot_general3A_63 {dimension_numbers = #tpu.dot_dimension_numbers<[0], [0], [1], [1], [0, 1, 1, 1], [], []>, precision = #tpu.contract_precision<fp32>, transpose_lhs_hint = false} : vector<20x4096xf32>, vector<20x256xf32>, vector<4096x256xf32> -> vector<4096x256xf32>
    %iota3A_65 = tpu.iota {dimensions = array<i32: 1>} : vector<16x256xi32>
    %iota3A_66 = tpu.iota {dimensions = array<i32: 0>} : vector<16x256xi32>
    %jit3A_67 = arith.constant 16 : i32
    %div3A_68 = vector.broadcast %jit3A_67 : i32 to vector<16x256xi32>
    %div3A_69 = arith.divsi %iota3A_65, %div3A_68 : vector<16x256xi32>
    %sign3A = arith.constant 0 : i32
    %sign3A_70 = vector.broadcast %sign3A : i32 to vector<16x256xi32>
    %sign3A_71 = arith.cmpi sgt, %iota3A_65, %sign3A_70 : vector<16x256xi32>
    %sign3A_72 = arith.extui %sign3A_71 : vector<16x256xi1> to vector<16x256xi32>
    %sign3A_73 = arith.constant 0 : i32
    %sign3A_74 = vector.broadcast %sign3A_73 : i32 to vector<16x256xi32>
    %sign3A_75 = arith.cmpi slt, %iota3A_65, %sign3A_74 : vector<16x256xi32>
    %sign3A_76 = arith.extui %sign3A_75 : vector<16x256xi1> to vector<16x256xi32>
    %sign3A_77 = arith.subi %sign3A_72, %sign3A_76 : vector<16x256xi32>
    %sign3A_78 = arith.constant 0 : i32
    %sign3A_79 = arith.cmpi sgt, %jit3A_67, %sign3A_78 : i32
    %sign3A_80 = arith.extui %sign3A_79 : i1 to i32
    %sign3A_81 = arith.constant 0 : i32
    %sign3A_82 = arith.cmpi slt, %jit3A_67, %sign3A_81 : i32
    %sign3A_83 = arith.extui %sign3A_82 : i1 to i32
    %sign3A_84 = arith.subi %sign3A_80, %sign3A_83 : i32
    %ne3A = vector.broadcast %sign3A_84 : i32 to vector<16x256xi32>
    %ne3A_85 = arith.cmpi ne, %sign3A_77, %ne3A : vector<16x256xi32>
    %rem3A = vector.broadcast %jit3A_67 : i32 to vector<16x256xi32>
    %rem3A_86 = arith.remsi %iota3A_65, %rem3A : vector<16x256xi32>
    %ne3A_87 = arith.constant 0 : i32
    %ne3A_88 = vector.broadcast %ne3A_87 : i32 to vector<16x256xi32>
    %ne3A_89 = arith.cmpi ne, %rem3A_86, %ne3A_88 : vector<16x256xi32>
    %and3A_90 = arith.andi %ne3A_85, %ne3A_89 : vector<16x256xi1>
    %sub3A_91 = arith.constant 1 : i32
    %sub3A_92 = vector.broadcast %sub3A_91 : i32 to vector<16x256xi32>
    %sub3A_93 = arith.subi %div3A_69, %sub3A_92 : vector<16x256xi32>
    %select_n3A_94 = arith.select %and3A_90, %sub3A_93, %div3A_69 : vector<16x256xi1>, vector<16x256xi32>
    %eq3A = arith.cmpi eq, %iota3A_66, %select_n3A_94 : vector<16x256xi32>
    %convert_element_type3A_95 = arith.extui %eq3A : vector<16x256xi1> to vector<16x256xi32>
    %convert_element_type3A_96 = arith.sitofp %convert_element_type3A_95 : vector<16x256xi32> to vector<16x256xf32>
    %dot_general3A_97 = arith.constant dense<0.000000e+00> : vector<4096x256xf32>
    %dot_general3A_98 = tpu.matmul %slice3A_5, %convert_element_type3A_96, %dot_general3A_97 {dimension_numbers = #tpu.dot_dimension_numbers<[1], [0], [0], [1], [0, 0, 1, 1], [], []>, transpose_lhs_hint = false} : vector<4096x16xf32>, vector<16x256xf32>, vector<4096x256xf32> -> vector<4096x256xf32>
    %mul3A_99 = arith.mulf %dot_general3A_98, %dot_general3A_64 : vector<4096x256xf32>
    %iota3A_100 = tpu.iota {dimensions = array<i32: 0>} : vector<256x16xi32>
    %iota3A_101 = tpu.iota {dimensions = array<i32: 1>} : vector<256x16xi32>
    %jit3A_102 = arith.constant 16 : i32
    %eq3A_103 = arith.constant 0 : i32
    %eq3A_104 = arith.cmpi eq, %jit3A_102, %eq3A_103 : i32
    %jit3A_105 = arith.constant 1 : i32
    %select_n3A_106 = arith.select %eq3A_104, %jit3A_105, %jit3A_102 : i32
    %rem3A_107 = vector.broadcast %select_n3A_106 : i32 to vector<256x16xi32>
    %rem3A_108 = arith.remsi %iota3A_100, %rem3A_107 : vector<256x16xi32>
    %ne3A_109 = arith.constant 0 : i32
    %ne3A_110 = vector.broadcast %ne3A_109 : i32 to vector<256x16xi32>
    %ne3A_111 = arith.cmpi ne, %rem3A_108, %ne3A_110 : vector<256x16xi32>
    %lt3A_112 = arith.constant 0 : i32
    %lt3A_113 = vector.broadcast %lt3A_112 : i32 to vector<256x16xi32>
    %lt3A_114 = arith.cmpi slt, %rem3A_108, %lt3A_113 : vector<256x16xi32>
    %lt3A_115 = arith.constant 0 : i32
    %lt3A_116 = arith.cmpi slt, %select_n3A_106, %lt3A_115 : i32
    %ne3A_117 = vector.broadcast %lt3A_116 : i1 to vector<256x16xi1>
    %ne3A_118 = vector.broadcast %ne3A_117 : vector<256x16xi1> to vector<256x16xi1>
    %ne3A_119 = arith.xori %lt3A_114, %ne3A_118 : vector<256x16xi1>
    %and3A_120 = arith.andi %ne3A_119, %ne3A_111 : vector<256x16xi1>
    %add3A_121 = vector.broadcast %select_n3A_106 : i32 to vector<256x16xi32>
    %add3A_122 = arith.addi %rem3A_108, %add3A_121 : vector<256x16xi32>
    %select_n3A_123 = arith.select %and3A_120, %add3A_122, %rem3A_108 : vector<256x16xi1>, vector<256x16xi32>
    %eq3A_124 = arith.cmpi eq, %select_n3A_123, %iota3A_101 : vector<256x16xi32>
    %convert_element_type3A_125 = arith.extui %eq3A_124 : vector<256x16xi1> to vector<256x16xi32>
    %convert_element_type3A_126 = arith.sitofp %convert_element_type3A_125 : vector<256x16xi32> to vector<256x16xf32>
    %dot_general3A_127 = arith.constant dense<0.000000e+00> : vector<4096x16xf32>
    %dot_general3A_128 = tpu.matmul %mul3A_99, %convert_element_type3A_126, %dot_general3A_127 {dimension_numbers = #tpu.dot_dimension_numbers<[1], [0], [0], [1], [0, 0, 1, 1], [], []>, transpose_lhs_hint = false} : vector<4096x256xf32>, vector<256x16xf32>, vector<4096x16xf32> -> vector<4096x16xf32>
    %mul3A_129 = arith.constant 2.500000e-01 : f32
    %mul3A_130 = vector.broadcast %mul3A_129 : f32 to vector<4096x16xf32>
    %mul3A_131 = arith.mulf %dot_general3A_128, %mul3A_130 : vector<4096x16xf32>
    %swap3A = arith.constant 0 : index
    %swap3A_132 = arith.constant 0 : index
    %swap3A_133 = vector.load %arg5[%swap3A, %swap3A_132] : memref<4096x16xf32, #tpu.memory_space<vmem>>, vector<4096x16xf32>
    tpu.vector_store %arg5[%swap3A, %swap3A_132], %mul3A_131 {strides = array<i32>} : memref<4096x16xf32, #tpu.memory_space<vmem>>, vector<4096x16xf32>,
    return
  }
  func.func @transform_0(%arg0: i32) -> (i32, i32) {
    %c0_i32 = arith.constant 0 : i32
    %c0_i32_0 = arith.constant 0 : i32
    return %arg0, %c0_i32 : i32, i32
  }
  func.func @transform_1(%arg0: i32) -> (i32, i32) {
    %c0_i32 = arith.constant 0 : i32
    %c0_i32_0 = arith.constant 0 : i32
    return %arg0, %c0_i32 : i32, i32
  }
  func.func @transform_2(%arg0: i32) -> (i32, i32) {
    %c0_i32 = arith.constant 0 : i32
    %c0_i32_0 = arith.constant 0 : i32
    %c0_i32_1 = arith.constant 0 : i32
    return %c0_i32, %c0_i32_0 : i32, i32
  }
  func.func @transform_3(%arg0: i32) -> (i32, i32) {
    %c0_i32 = arith.constant 0 : i32
    %c0_i32_0 = arith.constant 0 : i32
    %c0_i32_1 = arith.constant 0 : i32
    return %c0_i32, %c0_i32_0 : i32, i32
  }
  func.func @transform_4(%arg0: i32) -> (i32, i32) {
    %c0_i32 = arith.constant 0 : i32
    %c0_i32_0 = arith.constant 0 : i32
    return %arg0, %c0_i32 : i32, i32
  }
}

module attributes {stable_mosaic.version = 14 : i64} {
  func.func @_final_body(%arg0: memref<2x10000x16xf32, #tpu.memory_space<vmem>>, %arg1: memref<10000x1xi32, #tpu.memory_space<vmem>>, %arg2: memref<1250x128xi32, #tpu.memory_space<vmem>>, %arg3: memref<10000x16xf32, #tpu.memory_space<vmem>>, %arg4: memref<1x8xf32, #tpu.memory_space<vmem>>) attributes {dimension_semantics = [], scalar_prefetch = 0 : i64, scratch_operands = 0 : i64, tpu.core_type = #tpu.core_type<tc>} {
    %get3A = arith.constant 0 : index
    %get3A_0 = arith.constant 0 : index
    %get3A_1 = vector.load %arg1[%get3A, %get3A_0] : memref<10000x1xi32, #tpu.memory_space<vmem>>, vector<10000x1xi32>
    %get3A_2 = arith.constant 0 : index
    %get3A_3 = arith.constant 0 : index
    %get3A_4 = vector.load %arg2[%get3A_2, %get3A_3] : memref<1250x128xi32, #tpu.memory_space<vmem>>, vector<1250x128xi32>
    %lt3A = arith.constant 1 : i32
    %lt3A_5 = vector.broadcast %lt3A : i32 to vector<10000x1xi32>
    %lt3A_6 = arith.cmpi slt, %get3A_1, %lt3A_5 : vector<10000x1xi32>
    %convert_element_type3A = arith.extui %lt3A_6 : vector<10000x1xi1> to vector<10000x1xi32>
    %reduce_sum3A = vector.shape_cast %convert_element_type3A : vector<10000x1xi32> to vector<1x10000x1xi32>
    %reduce_sum3A_7 = arith.constant dense<0> : vector<1xi32>
    %reduce_sum3A_8 = vector.multi_reduction <add>, %reduce_sum3A, %reduce_sum3A_7 [1, 2] : vector<1x10000x1xi32> to vector<1xi32>
    %reduce_sum3A_9 = vector.shape_cast %reduce_sum3A_8 : vector<1xi32> to vector<1x1x1xi32>
    %reduce_sum3A_10 = vector.extract %reduce_sum3A_9[0, 0, 0] : i32 from vector<1x1x1xi32>
    %lt3A_11 = arith.constant 2 : i32
    %lt3A_12 = vector.broadcast %lt3A_11 : i32 to vector<10000x1xi32>
    %lt3A_13 = arith.cmpi slt, %get3A_1, %lt3A_12 : vector<10000x1xi32>
    %convert_element_type3A_14 = arith.extui %lt3A_13 : vector<10000x1xi1> to vector<10000x1xi32>
    %reduce_sum3A_15 = vector.shape_cast %convert_element_type3A_14 : vector<10000x1xi32> to vector<1x10000x1xi32>
    %reduce_sum3A_16 = arith.constant dense<0> : vector<1xi32>
    %reduce_sum3A_17 = vector.multi_reduction <add>, %reduce_sum3A_15, %reduce_sum3A_16 [1, 2] : vector<1x10000x1xi32> to vector<1xi32>
    %reduce_sum3A_18 = vector.shape_cast %reduce_sum3A_17 : vector<1xi32> to vector<1x1x1xi32>
    %reduce_sum3A_19 = vector.extract %reduce_sum3A_18[0, 0, 0] : i32 from vector<1x1x1xi32>
    %lt3A_20 = arith.constant 3 : i32
    %lt3A_21 = vector.broadcast %lt3A_20 : i32 to vector<10000x1xi32>
    %lt3A_22 = arith.cmpi slt, %get3A_1, %lt3A_21 : vector<10000x1xi32>
    %convert_element_type3A_23 = arith.extui %lt3A_22 : vector<10000x1xi1> to vector<10000x1xi32>
    %reduce_sum3A_24 = vector.shape_cast %convert_element_type3A_23 : vector<10000x1xi32> to vector<1x10000x1xi32>
    %reduce_sum3A_25 = arith.constant dense<0> : vector<1xi32>
    %reduce_sum3A_26 = vector.multi_reduction <add>, %reduce_sum3A_24, %reduce_sum3A_25 [1, 2] : vector<1x10000x1xi32> to vector<1xi32>
    %reduce_sum3A_27 = vector.shape_cast %reduce_sum3A_26 : vector<1xi32> to vector<1x1x1xi32>
    %reduce_sum3A_28 = vector.extract %reduce_sum3A_27[0, 0, 0] : i32 from vector<1x1x1xi32>
    %lt3A_29 = arith.constant 4 : i32
    %lt3A_30 = vector.broadcast %lt3A_29 : i32 to vector<10000x1xi32>
    %lt3A_31 = arith.cmpi slt, %get3A_1, %lt3A_30 : vector<10000x1xi32>
    %convert_element_type3A_32 = arith.extui %lt3A_31 : vector<10000x1xi1> to vector<10000x1xi32>
    %reduce_sum3A_33 = vector.shape_cast %convert_element_type3A_32 : vector<10000x1xi32> to vector<1x10000x1xi32>
    %reduce_sum3A_34 = arith.constant dense<0> : vector<1xi32>
    %reduce_sum3A_35 = vector.multi_reduction <add>, %reduce_sum3A_33, %reduce_sum3A_34 [1, 2] : vector<1x10000x1xi32> to vector<1xi32>
    %reduce_sum3A_36 = vector.shape_cast %reduce_sum3A_35 : vector<1xi32> to vector<1x1x1xi32>
    %reduce_sum3A_37 = vector.extract %reduce_sum3A_36[0, 0, 0] : i32 from vector<1x1x1xi32>
    %lt3A_38 = arith.constant 5 : i32
    %lt3A_39 = vector.broadcast %lt3A_38 : i32 to vector<10000x1xi32>
    %lt3A_40 = arith.cmpi slt, %get3A_1, %lt3A_39 : vector<10000x1xi32>
    %convert_element_type3A_41 = arith.extui %lt3A_40 : vector<10000x1xi1> to vector<10000x1xi32>
    %reduce_sum3A_42 = vector.shape_cast %convert_element_type3A_41 : vector<10000x1xi32> to vector<1x10000x1xi32>
    %reduce_sum3A_43 = arith.constant dense<0> : vector<1xi32>
    %reduce_sum3A_44 = vector.multi_reduction <add>, %reduce_sum3A_42, %reduce_sum3A_43 [1, 2] : vector<1x10000x1xi32> to vector<1xi32>
    %reduce_sum3A_45 = vector.shape_cast %reduce_sum3A_44 : vector<1xi32> to vector<1x1x1xi32>
    %reduce_sum3A_46 = vector.extract %reduce_sum3A_45[0, 0, 0] : i32 from vector<1x1x1xi32>
    %lt3A_47 = arith.constant 6 : i32
    %lt3A_48 = vector.broadcast %lt3A_47 : i32 to vector<10000x1xi32>
    %lt3A_49 = arith.cmpi slt, %get3A_1, %lt3A_48 : vector<10000x1xi32>
    %convert_element_type3A_50 = arith.extui %lt3A_49 : vector<10000x1xi1> to vector<10000x1xi32>
    %reduce_sum3A_51 = vector.shape_cast %convert_element_type3A_50 : vector<10000x1xi32> to vector<1x10000x1xi32>
    %reduce_sum3A_52 = arith.constant dense<0> : vector<1xi32>
    %reduce_sum3A_53 = vector.multi_reduction <add>, %reduce_sum3A_51, %reduce_sum3A_52 [1, 2] : vector<1x10000x1xi32> to vector<1xi32>
    %reduce_sum3A_54 = vector.shape_cast %reduce_sum3A_53 : vector<1xi32> to vector<1x1x1xi32>
    %reduce_sum3A_55 = vector.extract %reduce_sum3A_54[0, 0, 0] : i32 from vector<1x1x1xi32>
    %lt3A_56 = arith.constant 7 : i32
    %lt3A_57 = vector.broadcast %lt3A_56 : i32 to vector<10000x1xi32>
    %lt3A_58 = arith.cmpi slt, %get3A_1, %lt3A_57 : vector<10000x1xi32>
    %convert_element_type3A_59 = arith.extui %lt3A_58 : vector<10000x1xi1> to vector<10000x1xi32>
    %reduce_sum3A_60 = vector.shape_cast %convert_element_type3A_59 : vector<10000x1xi32> to vector<1x10000x1xi32>
    %reduce_sum3A_61 = arith.constant dense<0> : vector<1xi32>
    %reduce_sum3A_62 = vector.multi_reduction <add>, %reduce_sum3A_60, %reduce_sum3A_61 [1, 2] : vector<1x10000x1xi32> to vector<1xi32>
    %reduce_sum3A_63 = vector.shape_cast %reduce_sum3A_62 : vector<1xi32> to vector<1x1x1xi32>
    %reduce_sum3A_64 = vector.extract %reduce_sum3A_63[0, 0, 0] : i32 from vector<1x1x1xi32>
    %lt3A_65 = vector.broadcast %reduce_sum3A_10 : i32 to vector<1250x128xi32>
    %lt3A_66 = arith.cmpi slt, %get3A_4, %lt3A_65 : vector<1250x128xi32>
    %convert_element_type3A_67 = arith.extui %lt3A_66 : vector<1250x128xi1> to vector<1250x128xi32>
    %convert_element_type3A_68 = arith.sitofp %convert_element_type3A_67 : vector<1250x128xi32> to vector<1250x128xf32>
    %reduce_sum3A_69 = vector.shape_cast %convert_element_type3A_68 : vector<1250x128xf32> to vector<1x1250x128xf32>
    %reduce_sum3A_70 = arith.constant dense<0.000000e+00> : vector<1xf32>
    %reduce_sum3A_71 = vector.multi_reduction <add>, %reduce_sum3A_69, %reduce_sum3A_70 [1, 2] : vector<1x1250x128xf32> to vector<1xf32>
    %reduce_sum3A_72 = vector.shape_cast %reduce_sum3A_71 : vector<1xf32> to vector<1x1x1xf32>
    %reduce_sum3A_73 = vector.extract %reduce_sum3A_72[0, 0, 0] : f32 from vector<1x1x1xf32>
    %lt3A_74 = vector.broadcast %reduce_sum3A_19 : i32 to vector<1250x128xi32>
    %lt3A_75 = arith.cmpi slt, %get3A_4, %lt3A_74 : vector<1250x128xi32>
    %convert_element_type3A_76 = arith.extui %lt3A_75 : vector<1250x128xi1> to vector<1250x128xi32>
    %convert_element_type3A_77 = arith.sitofp %convert_element_type3A_76 : vector<1250x128xi32> to vector<1250x128xf32>
    %reduce_sum3A_78 = vector.shape_cast %convert_element_type3A_77 : vector<1250x128xf32> to vector<1x1250x128xf32>
    %reduce_sum3A_79 = arith.constant dense<0.000000e+00> : vector<1xf32>
    %reduce_sum3A_80 = vector.multi_reduction <add>, %reduce_sum3A_78, %reduce_sum3A_79 [1, 2] : vector<1x1250x128xf32> to vector<1xf32>
    %reduce_sum3A_81 = vector.shape_cast %reduce_sum3A_80 : vector<1xf32> to vector<1x1x1xf32>
    %reduce_sum3A_82 = vector.extract %reduce_sum3A_81[0, 0, 0] : f32 from vector<1x1x1xf32>
    %lt3A_83 = vector.broadcast %reduce_sum3A_28 : i32 to vector<1250x128xi32>
    %lt3A_84 = arith.cmpi slt, %get3A_4, %lt3A_83 : vector<1250x128xi32>
    %convert_element_type3A_85 = arith.extui %lt3A_84 : vector<1250x128xi1> to vector<1250x128xi32>
    %convert_element_type3A_86 = arith.sitofp %convert_element_type3A_85 : vector<1250x128xi32> to vector<1250x128xf32>
    %reduce_sum3A_87 = vector.shape_cast %convert_element_type3A_86 : vector<1250x128xf32> to vector<1x1250x128xf32>
    %reduce_sum3A_88 = arith.constant dense<0.000000e+00> : vector<1xf32>
    %reduce_sum3A_89 = vector.multi_reduction <add>, %reduce_sum3A_87, %reduce_sum3A_88 [1, 2] : vector<1x1250x128xf32> to vector<1xf32>
    %reduce_sum3A_90 = vector.shape_cast %reduce_sum3A_89 : vector<1xf32> to vector<1x1x1xf32>
    %reduce_sum3A_91 = vector.extract %reduce_sum3A_90[0, 0, 0] : f32 from vector<1x1x1xf32>
    %lt3A_92 = vector.broadcast %reduce_sum3A_37 : i32 to vector<1250x128xi32>
    %lt3A_93 = arith.cmpi slt, %get3A_4, %lt3A_92 : vector<1250x128xi32>
    %convert_element_type3A_94 = arith.extui %lt3A_93 : vector<1250x128xi1> to vector<1250x128xi32>
    %convert_element_type3A_95 = arith.sitofp %convert_element_type3A_94 : vector<1250x128xi32> to vector<1250x128xf32>
    %reduce_sum3A_96 = vector.shape_cast %convert_element_type3A_95 : vector<1250x128xf32> to vector<1x1250x128xf32>
    %reduce_sum3A_97 = arith.constant dense<0.000000e+00> : vector<1xf32>
    %reduce_sum3A_98 = vector.multi_reduction <add>, %reduce_sum3A_96, %reduce_sum3A_97 [1, 2] : vector<1x1250x128xf32> to vector<1xf32>
    %reduce_sum3A_99 = vector.shape_cast %reduce_sum3A_98 : vector<1xf32> to vector<1x1x1xf32>
    %reduce_sum3A_100 = vector.extract %reduce_sum3A_99[0, 0, 0] : f32 from vector<1x1x1xf32>
    %lt3A_101 = vector.broadcast %reduce_sum3A_46 : i32 to vector<1250x128xi32>
    %lt3A_102 = arith.cmpi slt, %get3A_4, %lt3A_101 : vector<1250x128xi32>
    %convert_element_type3A_103 = arith.extui %lt3A_102 : vector<1250x128xi1> to vector<1250x128xi32>
    %convert_element_type3A_104 = arith.sitofp %convert_element_type3A_103 : vector<1250x128xi32> to vector<1250x128xf32>
    %reduce_sum3A_105 = vector.shape_cast %convert_element_type3A_104 : vector<1250x128xf32> to vector<1x1250x128xf32>
    %reduce_sum3A_106 = arith.constant dense<0.000000e+00> : vector<1xf32>
    %reduce_sum3A_107 = vector.multi_reduction <add>, %reduce_sum3A_105, %reduce_sum3A_106 [1, 2] : vector<1x1250x128xf32> to vector<1xf32>
    %reduce_sum3A_108 = vector.shape_cast %reduce_sum3A_107 : vector<1xf32> to vector<1x1x1xf32>
    %reduce_sum3A_109 = vector.extract %reduce_sum3A_108[0, 0, 0] : f32 from vector<1x1x1xf32>
    %lt3A_110 = vector.broadcast %reduce_sum3A_55 : i32 to vector<1250x128xi32>
    %lt3A_111 = arith.cmpi slt, %get3A_4, %lt3A_110 : vector<1250x128xi32>
    %convert_element_type3A_112 = arith.extui %lt3A_111 : vector<1250x128xi1> to vector<1250x128xi32>
    %convert_element_type3A_113 = arith.sitofp %convert_element_type3A_112 : vector<1250x128xi32> to vector<1250x128xf32>
    %reduce_sum3A_114 = vector.shape_cast %convert_element_type3A_113 : vector<1250x128xf32> to vector<1x1250x128xf32>
    %reduce_sum3A_115 = arith.constant dense<0.000000e+00> : vector<1xf32>
    %reduce_sum3A_116 = vector.multi_reduction <add>, %reduce_sum3A_114, %reduce_sum3A_115 [1, 2] : vector<1x1250x128xf32> to vector<1xf32>
    %reduce_sum3A_117 = vector.shape_cast %reduce_sum3A_116 : vector<1xf32> to vector<1x1x1xf32>
    %reduce_sum3A_118 = vector.extract %reduce_sum3A_117[0, 0, 0] : f32 from vector<1x1x1xf32>
    %lt3A_119 = vector.broadcast %reduce_sum3A_64 : i32 to vector<1250x128xi32>
    %lt3A_120 = arith.cmpi slt, %get3A_4, %lt3A_119 : vector<1250x128xi32>
    %convert_element_type3A_121 = arith.extui %lt3A_120 : vector<1250x128xi1> to vector<1250x128xi32>
    %convert_element_type3A_122 = arith.sitofp %convert_element_type3A_121 : vector<1250x128xi32> to vector<1250x128xf32>
    %reduce_sum3A_123 = vector.shape_cast %convert_element_type3A_122 : vector<1250x128xf32> to vector<1x1250x128xf32>
    %reduce_sum3A_124 = arith.constant dense<0.000000e+00> : vector<1xf32>
    %reduce_sum3A_125 = vector.multi_reduction <add>, %reduce_sum3A_123, %reduce_sum3A_124 [1, 2] : vector<1x1250x128xf32> to vector<1xf32>
    %reduce_sum3A_126 = vector.shape_cast %reduce_sum3A_125 : vector<1xf32> to vector<1x1x1xf32>
    %reduce_sum3A_127 = vector.extract %reduce_sum3A_126[0, 0, 0] : f32 from vector<1x1x1xf32>
    %sub3A = arith.constant 0.000000e+00 : f32
    %sub3A_128 = arith.subf %reduce_sum3A_73, %sub3A : f32
    %sub3A_129 = arith.constant 0 : i32
    %sub3A_130 = arith.subi %reduce_sum3A_10, %sub3A_129 : i32
    %convert_element_type3A_131 = arith.sitofp %sub3A_130 : i32 to f32
    %div3A = arith.divf %sub3A_128, %convert_element_type3A_131 : f32
    %sub3A_132 = arith.subf %reduce_sum3A_82, %reduce_sum3A_73 : f32
    %sub3A_133 = arith.subi %reduce_sum3A_19, %reduce_sum3A_10 : i32
    %convert_element_type3A_134 = arith.sitofp %sub3A_133 : i32 to f32
    %div3A_135 = arith.divf %sub3A_132, %convert_element_type3A_134 : f32
    %sub3A_136 = arith.subf %reduce_sum3A_91, %reduce_sum3A_82 : f32
    %sub3A_137 = arith.subi %reduce_sum3A_28, %reduce_sum3A_19 : i32
    %convert_element_type3A_138 = arith.sitofp %sub3A_137 : i32 to f32
    %div3A_139 = arith.divf %sub3A_136, %convert_element_type3A_138 : f32
    %sub3A_140 = arith.subf %reduce_sum3A_100, %reduce_sum3A_91 : f32
    %sub3A_141 = arith.subi %reduce_sum3A_37, %reduce_sum3A_28 : i32
    %convert_element_type3A_142 = arith.sitofp %sub3A_141 : i32 to f32
    %div3A_143 = arith.divf %sub3A_140, %convert_element_type3A_142 : f32
    %sub3A_144 = arith.subf %reduce_sum3A_109, %reduce_sum3A_100 : f32
    %sub3A_145 = arith.subi %reduce_sum3A_46, %reduce_sum3A_37 : i32
    %convert_element_type3A_146 = arith.sitofp %sub3A_145 : i32 to f32
    %div3A_147 = arith.divf %sub3A_144, %convert_element_type3A_146 : f32
    %sub3A_148 = arith.subf %reduce_sum3A_118, %reduce_sum3A_109 : f32
    %sub3A_149 = arith.subi %reduce_sum3A_55, %reduce_sum3A_46 : i32
    %convert_element_type3A_150 = arith.sitofp %sub3A_149 : i32 to f32
    %div3A_151 = arith.divf %sub3A_148, %convert_element_type3A_150 : f32
    %sub3A_152 = arith.subf %reduce_sum3A_127, %reduce_sum3A_118 : f32
    %sub3A_153 = arith.subi %reduce_sum3A_64, %reduce_sum3A_55 : i32
    %convert_element_type3A_154 = arith.sitofp %sub3A_153 : i32 to f32
    %div3A_155 = arith.divf %sub3A_152, %convert_element_type3A_154 : f32
    %sub3A_156 = arith.constant 1.600000e+05 : f32
    %sub3A_157 = arith.subf %sub3A_156, %reduce_sum3A_127 : f32
    %sub3A_158 = arith.constant 10000 : i32
    %sub3A_159 = arith.subi %sub3A_158, %reduce_sum3A_64 : i32
    %convert_element_type3A_160 = arith.sitofp %sub3A_159 : i32 to f32
    %div3A_161 = arith.divf %sub3A_157, %convert_element_type3A_160 : f32
    %iota3A = tpu.iota {dimensions = array<i32: 1>} : vector<1x8xi32>
    %broadcast_in_dim3A = arith.constant 0.000000e+00 : f32
    %broadcast_in_dim3A_162 = vector.broadcast %broadcast_in_dim3A : f32 to vector<1x8xf32>
    %eq3A = arith.constant 0 : i32
    %eq3A_163 = vector.broadcast %eq3A : i32 to vector<1x8xi32>
    %eq3A_164 = arith.cmpi eq, %iota3A, %eq3A_163 : vector<1x8xi32>
    %convert_element_type3A_165 = arith.extui %eq3A_164 : vector<1x8xi1> to vector<1x8xi32>
    %convert_element_type3A_166 = arith.sitofp %convert_element_type3A_165 : vector<1x8xi32> to vector<1x8xf32>
    %mul3A = vector.broadcast %div3A : f32 to vector<1x8xf32>
    %mul3A_167 = arith.mulf %mul3A, %convert_element_type3A_166 : vector<1x8xf32>
    %add3A = arith.addf %broadcast_in_dim3A_162, %mul3A_167 : vector<1x8xf32>
    %eq3A_168 = arith.constant 1 : i32
    %eq3A_169 = vector.broadcast %eq3A_168 : i32 to vector<1x8xi32>
    %eq3A_170 = arith.cmpi eq, %iota3A, %eq3A_169 : vector<1x8xi32>
    %convert_element_type3A_171 = arith.extui %eq3A_170 : vector<1x8xi1> to vector<1x8xi32>
    %convert_element_type3A_172 = arith.sitofp %convert_element_type3A_171 : vector<1x8xi32> to vector<1x8xf32>
    %mul3A_173 = vector.broadcast %div3A_135 : f32 to vector<1x8xf32>
    %mul3A_174 = arith.mulf %mul3A_173, %convert_element_type3A_172 : vector<1x8xf32>
    %add3A_175 = arith.addf %add3A, %mul3A_174 : vector<1x8xf32>
    %eq3A_176 = arith.constant 2 : i32
    %eq3A_177 = vector.broadcast %eq3A_176 : i32 to vector<1x8xi32>
    %eq3A_178 = arith.cmpi eq, %iota3A, %eq3A_177 : vector<1x8xi32>
    %convert_element_type3A_179 = arith.extui %eq3A_178 : vector<1x8xi1> to vector<1x8xi32>
    %convert_element_type3A_180 = arith.sitofp %convert_element_type3A_179 : vector<1x8xi32> to vector<1x8xf32>
    %mul3A_181 = vector.broadcast %div3A_139 : f32 to vector<1x8xf32>
    %mul3A_182 = arith.mulf %mul3A_181, %convert_element_type3A_180 : vector<1x8xf32>
    %add3A_183 = arith.addf %add3A_175, %mul3A_182 : vector<1x8xf32>
    %eq3A_184 = arith.constant 3 : i32
    %eq3A_185 = vector.broadcast %eq3A_184 : i32 to vector<1x8xi32>
    %eq3A_186 = arith.cmpi eq, %iota3A, %eq3A_185 : vector<1x8xi32>
    %convert_element_type3A_187 = arith.extui %eq3A_186 : vector<1x8xi1> to vector<1x8xi32>
    %convert_element_type3A_188 = arith.sitofp %convert_element_type3A_187 : vector<1x8xi32> to vector<1x8xf32>
    %mul3A_189 = vector.broadcast %div3A_143 : f32 to vector<1x8xf32>
    %mul3A_190 = arith.mulf %mul3A_189, %convert_element_type3A_188 : vector<1x8xf32>
    %add3A_191 = arith.addf %add3A_183, %mul3A_190 : vector<1x8xf32>
    %eq3A_192 = arith.constant 4 : i32
    %eq3A_193 = vector.broadcast %eq3A_192 : i32 to vector<1x8xi32>
    %eq3A_194 = arith.cmpi eq, %iota3A, %eq3A_193 : vector<1x8xi32>
    %convert_element_type3A_195 = arith.extui %eq3A_194 : vector<1x8xi1> to vector<1x8xi32>
    %convert_element_type3A_196 = arith.sitofp %convert_element_type3A_195 : vector<1x8xi32> to vector<1x8xf32>
    %mul3A_197 = vector.broadcast %div3A_147 : f32 to vector<1x8xf32>
    %mul3A_198 = arith.mulf %mul3A_197, %convert_element_type3A_196 : vector<1x8xf32>
    %add3A_199 = arith.addf %add3A_191, %mul3A_198 : vector<1x8xf32>
    %eq3A_200 = arith.constant 5 : i32
    %eq3A_201 = vector.broadcast %eq3A_200 : i32 to vector<1x8xi32>
    %eq3A_202 = arith.cmpi eq, %iota3A, %eq3A_201 : vector<1x8xi32>
    %convert_element_type3A_203 = arith.extui %eq3A_202 : vector<1x8xi1> to vector<1x8xi32>
    %convert_element_type3A_204 = arith.sitofp %convert_element_type3A_203 : vector<1x8xi32> to vector<1x8xf32>
    %mul3A_205 = vector.broadcast %div3A_151 : f32 to vector<1x8xf32>
    %mul3A_206 = arith.mulf %mul3A_205, %convert_element_type3A_204 : vector<1x8xf32>
    %add3A_207 = arith.addf %add3A_199, %mul3A_206 : vector<1x8xf32>
    %eq3A_208 = arith.constant 6 : i32
    %eq3A_209 = vector.broadcast %eq3A_208 : i32 to vector<1x8xi32>
    %eq3A_210 = arith.cmpi eq, %iota3A, %eq3A_209 : vector<1x8xi32>
    %convert_element_type3A_211 = arith.extui %eq3A_210 : vector<1x8xi1> to vector<1x8xi32>
    %convert_element_type3A_212 = arith.sitofp %convert_element_type3A_211 : vector<1x8xi32> to vector<1x8xf32>
    %mul3A_213 = vector.broadcast %div3A_155 : f32 to vector<1x8xf32>
    %mul3A_214 = arith.mulf %mul3A_213, %convert_element_type3A_212 : vector<1x8xf32>
    %add3A_215 = arith.addf %add3A_207, %mul3A_214 : vector<1x8xf32>
    %eq3A_216 = arith.constant 7 : i32
    %eq3A_217 = vector.broadcast %eq3A_216 : i32 to vector<1x8xi32>
    %eq3A_218 = arith.cmpi eq, %iota3A, %eq3A_217 : vector<1x8xi32>
    %convert_element_type3A_219 = arith.extui %eq3A_218 : vector<1x8xi1> to vector<1x8xi32>
    %convert_element_type3A_220 = arith.sitofp %convert_element_type3A_219 : vector<1x8xi32> to vector<1x8xf32>
    %mul3A_221 = vector.broadcast %div3A_161 : f32 to vector<1x8xf32>
    %mul3A_222 = arith.mulf %mul3A_221, %convert_element_type3A_220 : vector<1x8xf32>
    %add3A_223 = arith.addf %add3A_215, %mul3A_222 : vector<1x8xf32>
    %swap3A = arith.constant 0 : index
    %swap3A_224 = arith.constant 0 : index
    %swap3A_225 = vector.load %arg4[%swap3A, %swap3A_224] : memref<1x8xf32, #tpu.memory_space<vmem>>, vector<1x8xf32>
    tpu.vector_store %arg4[%swap3A, %swap3A_224], %add3A_223 {strides = array<i32>} : memref<1x8xf32, #tpu.memory_space<vmem>>, vector<1x8xf32>,
    %broadcast_in_dim3A_226 = arith.constant 0.000000e+00 : f32
    %broadcast_in_dim3A_227 = vector.broadcast %broadcast_in_dim3A_226 : f32 to vector<10000x1xf32>
    %eq3A_228 = arith.constant 0 : i32
    %eq3A_229 = vector.broadcast %eq3A_228 : i32 to vector<10000x1xi32>
    %eq3A_230 = arith.cmpi eq, %get3A_1, %eq3A_229 : vector<10000x1xi32>
    %convert_element_type3A_231 = arith.extui %eq3A_230 : vector<10000x1xi1> to vector<10000x1xi32>
    %convert_element_type3A_232 = arith.sitofp %convert_element_type3A_231 : vector<10000x1xi32> to vector<10000x1xf32>
    %mul3A_233 = vector.broadcast %div3A : f32 to vector<10000x1xf32>
    %mul3A_234 = arith.mulf %mul3A_233, %convert_element_type3A_232 : vector<10000x1xf32>
    %add3A_235 = arith.addf %broadcast_in_dim3A_227, %mul3A_234 : vector<10000x1xf32>
    %eq3A_236 = arith.constant 1 : i32
    %eq3A_237 = vector.broadcast %eq3A_236 : i32 to vector<10000x1xi32>
    %eq3A_238 = arith.cmpi eq, %get3A_1, %eq3A_237 : vector<10000x1xi32>
    %convert_element_type3A_239 = arith.extui %eq3A_238 : vector<10000x1xi1> to vector<10000x1xi32>
    %convert_element_type3A_240 = arith.sitofp %convert_element_type3A_239 : vector<10000x1xi32> to vector<10000x1xf32>
    %mul3A_241 = vector.broadcast %div3A_135 : f32 to vector<10000x1xf32>
    %mul3A_242 = arith.mulf %mul3A_241, %convert_element_type3A_240 : vector<10000x1xf32>
    %add3A_243 = arith.addf %add3A_235, %mul3A_242 : vector<10000x1xf32>
    %eq3A_244 = arith.constant 2 : i32
    %eq3A_245 = vector.broadcast %eq3A_244 : i32 to vector<10000x1xi32>
    %eq3A_246 = arith.cmpi eq, %get3A_1, %eq3A_245 : vector<10000x1xi32>
    %convert_element_type3A_247 = arith.extui %eq3A_246 : vector<10000x1xi1> to vector<10000x1xi32>
    %convert_element_type3A_248 = arith.sitofp %convert_element_type3A_247 : vector<10000x1xi32> to vector<10000x1xf32>
    %mul3A_249 = vector.broadcast %div3A_139 : f32 to vector<10000x1xf32>
    %mul3A_250 = arith.mulf %mul3A_249, %convert_element_type3A_248 : vector<10000x1xf32>
    %add3A_251 = arith.addf %add3A_243, %mul3A_250 : vector<10000x1xf32>
    %eq3A_252 = arith.constant 3 : i32
    %eq3A_253 = vector.broadcast %eq3A_252 : i32 to vector<10000x1xi32>
    %eq3A_254 = arith.cmpi eq, %get3A_1, %eq3A_253 : vector<10000x1xi32>
    %convert_element_type3A_255 = arith.extui %eq3A_254 : vector<10000x1xi1> to vector<10000x1xi32>
    %convert_element_type3A_256 = arith.sitofp %convert_element_type3A_255 : vector<10000x1xi32> to vector<10000x1xf32>
    %mul3A_257 = vector.broadcast %div3A_143 : f32 to vector<10000x1xf32>
    %mul3A_258 = arith.mulf %mul3A_257, %convert_element_type3A_256 : vector<10000x1xf32>
    %add3A_259 = arith.addf %add3A_251, %mul3A_258 : vector<10000x1xf32>
    %eq3A_260 = arith.constant 4 : i32
    %eq3A_261 = vector.broadcast %eq3A_260 : i32 to vector<10000x1xi32>
    %eq3A_262 = arith.cmpi eq, %get3A_1, %eq3A_261 : vector<10000x1xi32>
    %convert_element_type3A_263 = arith.extui %eq3A_262 : vector<10000x1xi1> to vector<10000x1xi32>
    %convert_element_type3A_264 = arith.sitofp %convert_element_type3A_263 : vector<10000x1xi32> to vector<10000x1xf32>
    %mul3A_265 = vector.broadcast %div3A_147 : f32 to vector<10000x1xf32>
    %mul3A_266 = arith.mulf %mul3A_265, %convert_element_type3A_264 : vector<10000x1xf32>
    %add3A_267 = arith.addf %add3A_259, %mul3A_266 : vector<10000x1xf32>
    %eq3A_268 = arith.constant 5 : i32
    %eq3A_269 = vector.broadcast %eq3A_268 : i32 to vector<10000x1xi32>
    %eq3A_270 = arith.cmpi eq, %get3A_1, %eq3A_269 : vector<10000x1xi32>
    %convert_element_type3A_271 = arith.extui %eq3A_270 : vector<10000x1xi1> to vector<10000x1xi32>
    %convert_element_type3A_272 = arith.sitofp %convert_element_type3A_271 : vector<10000x1xi32> to vector<10000x1xf32>
    %mul3A_273 = vector.broadcast %div3A_151 : f32 to vector<10000x1xf32>
    %mul3A_274 = arith.mulf %mul3A_273, %convert_element_type3A_272 : vector<10000x1xf32>
    %add3A_275 = arith.addf %add3A_267, %mul3A_274 : vector<10000x1xf32>
    %eq3A_276 = arith.constant 6 : i32
    %eq3A_277 = vector.broadcast %eq3A_276 : i32 to vector<10000x1xi32>
    %eq3A_278 = arith.cmpi eq, %get3A_1, %eq3A_277 : vector<10000x1xi32>
    %convert_element_type3A_279 = arith.extui %eq3A_278 : vector<10000x1xi1> to vector<10000x1xi32>
    %convert_element_type3A_280 = arith.sitofp %convert_element_type3A_279 : vector<10000x1xi32> to vector<10000x1xf32>
    %mul3A_281 = vector.broadcast %div3A_155 : f32 to vector<10000x1xf32>
    %mul3A_282 = arith.mulf %mul3A_281, %convert_element_type3A_280 : vector<10000x1xf32>
    %add3A_283 = arith.addf %add3A_275, %mul3A_282 : vector<10000x1xf32>
    %eq3A_284 = arith.constant 7 : i32
    %eq3A_285 = vector.broadcast %eq3A_284 : i32 to vector<10000x1xi32>
    %eq3A_286 = arith.cmpi eq, %get3A_1, %eq3A_285 : vector<10000x1xi32>
    %convert_element_type3A_287 = arith.extui %eq3A_286 : vector<10000x1xi1> to vector<10000x1xi32>
    %convert_element_type3A_288 = arith.sitofp %convert_element_type3A_287 : vector<10000x1xi32> to vector<10000x1xf32>
    %mul3A_289 = vector.broadcast %div3A_161 : f32 to vector<10000x1xf32>
    %mul3A_290 = arith.mulf %mul3A_289, %convert_element_type3A_288 : vector<10000x1xf32>
    %add3A_291 = arith.addf %add3A_283, %mul3A_290 : vector<10000x1xf32>
    %get3A_292 = arith.constant 0 : index
    %get3A_293 = arith.constant 0 : index
    %get3A_294 = arith.constant 0 : index
    %get3A_295 = vector.load %arg0[%get3A_292, %get3A_293, %get3A_294] : memref<2x10000x16xf32, #tpu.memory_space<vmem>>, vector<1x10000x16xf32>
    %get3A_296 = vector.shape_cast %get3A_295 : vector<1x10000x16xf32> to vector<10000x16xf32>
    %get3A_297 = arith.constant 1 : index
    %get3A_298 = arith.constant 0 : index
    %get3A_299 = arith.constant 0 : index
    %get3A_300 = vector.load %arg0[%get3A_297, %get3A_298, %get3A_299] : memref<2x10000x16xf32, #tpu.memory_space<vmem>>, vector<1x10000x16xf32>
    %get3A_301 = vector.shape_cast %get3A_300 : vector<1x10000x16xf32> to vector<10000x16xf32>
    %add3A_302 = arith.addf %get3A_296, %get3A_301 : vector<10000x16xf32>
    %sqrt3A = math.sqrt %add3A_291 : vector<10000x1xf32>
    %div3A_303 = vector.broadcast %sqrt3A : vector<10000x1xf32> to vector<10000x16xf32>
    %div3A_304 = arith.divf %add3A_302, %div3A_303 : vector<10000x16xf32>
    %swap3A_305 = arith.constant 0 : index
    %swap3A_306 = arith.constant 0 : index
    %swap3A_307 = vector.load %arg3[%swap3A_305, %swap3A_306] : memref<10000x16xf32, #tpu.memory_space<vmem>>, vector<10000x16xf32>
    tpu.vector_store %arg3[%swap3A_305, %swap3A_306], %div3A_304 {strides = array<i32>} : memref<10000x16xf32, #tpu.memory_space<vmem>>, vector<10000x16xf32>,
    return
  }
}

</mosaic_0001>

<sc_bundles>
// kernel: kernel.6.cloned.1.call-start
scs
__scs_entry_jumppad:
0x0: {  	(pc) =	sbr.rel $0x88, $3  }
0x1: {  	(tag) =	ssettag $0x0;
	lr =	simm.s32 $0x1  }
0x2: {  	[smem:$0x3F9A] =	sst lr;
	_ =	strace $0xD0000000  }
0x3: {  	_ = 	snop  }
0x4: {  	_ = 	snop  }
0x5: {  	_ = 	snop  }
0x6: {  	_ = 	snop  }
0x7: {  	_ = 	snop  }
__scs_overlays_trampoline_lowered:
0x8: {  	[smem:$0x3FA9] =	sst s0  }
0x9: {  	[smem:$0x3FAA] =	sst s1  }
0xa: {  	[smem:$0x3FAB] =	sst s2  }
0xb: {  	[smem:$0x3FAC] =	sst s3  }
0xc: {  	[smem:$0x3FAD] =	sst s4  }
0xd: {  	[smem:$0x3FAE] =	sst s5  }
0xe: {  	[smem:$0x3FAF] =	sst s6  }
0xf: {  	[smem:$0x3FB0] =	sst s7  }
0x10: {  	[smem:$0x3FB1] =	sst s8  }
0x11: {  	[smem:$0x3FB2] =	sst s9;
	s0 =	simm.s32 @!p0 $0x0  }
0x12: {  	s1 =	sld [smem:$0x3F98];
	s0 =	simm.s32 @p0 $0x1  }
0x13: {  	[smem:$0x3FB3] =	sst s0;
	s0 =	simm.s32 @!p1 $0x0  }
0x14: {  	s2 =	sld [smem:$0x3F97];
	s0 =	simm.s32 @p1 $0x1  }
0x15: {  	[smem:$0x3FB4] =	sst s0;
	s0 =	simm.s32 @!p2 $0x0  }
0x16: {  	s3 =	sld [smem:$0x3FDB];
	s0 =	simm.s32 @p2 $0x1  }
0x17: {  	s4 =	simm.s32 $0x1BF5;
	[smem:$0x3FB6] =	sst s0  }
0x18: {  	s0 =	sld [smem:$0x3F99];
	_ =	swait.ge [sflag:s4], $0x0  }
0x19: {  	s7 =	sld [smem:$0x3F9A]  }
0x1a: {  	s8 =	sadd.s32 $0xFFFFE003, lr  }
0x1b: {  	s9 =	sadd.s32 $0xFFFFFEF7, lr;
	s5 =	simm.s32 $0xFFFFFFFF;
	p2 =	slt.u32 s8, $0xFFFFF086  }
0x1c: {  	p1 =	slt.u32 s9, $0xF7A;
	s5 =	simm.s32 @!p2 $0x0  }
0x1d: {  	s5 =	simm.s32 @p1 $0x1;
	p0 =	seq.s32 s7, s2  }
0x1e: {  	s7 =	smul.u32 @!p0 $0xF7A, s2;
	p2 =	seq.s32 @!p0 s5, $0x0  }
0x1f: {  	s9 =	smul.u32 $0xF7A, s1;
	s8 =	simm.s32 @!p0 $0x1BF5;
	p2 =	por !p2, p0  }
0x20: {  	[sflag:s8] =	ssyncset.s32 @!p0 $0xFFFFF086;
	s6 =	sadd.s32 @!p0 s3, s7;
	s7 =	simm.s32 @!p0 $0x108  }
0x21: {  	s3 =	sadd.s32 s3, s9;
	s6 =	sadd.s32 @!p0 $0x88, s6;
	s7 =	simm.s32 @p2 $0x1082  }
0x22: {  	[simem:s7], [sflag:s8] =	dma.local @!p0 [hbm:s6], $0xF7A  }
0x23: {  	s9 =	sor.u32 $0xD0000000, s2;
	s6 =	simm.s32 $0x108;
	_ =	swait.ge @!p0 [sflag:s8], $0x0  }
0x24: {  	s3 =	sadd.s32 $0x88, s3;
	s6 =	simm.s32 @!p1 $0x1082;
	[sflag:s4] =	ssyncset.s32 $0xFFFFF086  }
0x25: {  	[simem:s6], [sflag:s4] =	dma.local [hbm:s3], $0xF7A  }
0x26: {  	[smem:$0x3F9A] =	sst s1;
	(tag) =	ssettag s2;
	_ =	strace s9  }
0x27: {  	s1 =	sld [smem:$0x3FAA]  }
0x28: {  	s2 =	sld [smem:$0x3FAB]  }
0x29: {  	s4 =	sld [smem:$0x3FAD]  }
0x2a: {  	p0 =	seq.s32 s5, $0x0;
	s5 =	sld [smem:$0x3FAE]  }
0x2b: {  	s6 =	sld [smem:$0x3FAF]  }
0x2c: {  	s7 =	sld [smem:$0x3FB0]  }
0x2d: {  	s3 =	simm.s32 $0x108;
	s8 =	sld [smem:$0x3FB1]  }
0x2e: {  	s3 =	simm.s32 @!p0 $0x1082;
	s9 =	sld [smem:$0x3FB2]  }
0x2f: {  	lr =	sadd.s32 s0, s3;
	s0 =	sld [smem:$0x3FA9]  }
0x30: {  	s3 =	sld [smem:$0x3FAC]  }
0x31: {  	[smem:$0x3FB5] =	sst s10  }
0x32: {  	s10 =	sld [smem:$0x3FB3];
	_ =	sdelay $0x3  }
0x33: {  	p0 =	seq.s32 s10, $0x1;
	s10 =	sld [smem:$0x3FB5];
	_ =	sdelay $0x3  }
0x34: {  	[smem:$0x3FB5] =	sst s10  }
0x35: {  	s10 =	sld [smem:$0x3FB4];
	_ =	sdelay $0x3  }
0x36: {  	p1 =	seq.s32 s10, $0x1;
	s10 =	sld [smem:$0x3FB5];
	_ =	sdelay $0x3  }
0x37: {  	[smem:$0x3FB5] =	sst s10  }
0x38: {  	s10 =	sld [smem:$0x3FB6]  }
0x39: {  	_ = 	snop;
	(pc) =	sbr.ind lr, $3  }
0x3a: {  	_ = 	snop  }
0x3b: {  	_ = 	snop  }
0x3c: {  	p2 =	seq.s32 s10, $0x1;
	s10 =	sld [smem:$0x3FB5]  }
0x3d: {  	_ =	shalt  }
0x3e: {  	_ =	shalt  }
0x3f: {  	_ =	shalt  }
0x40: {  	_ =	shalt  }
0x41: {  	_ =	shalt  }
0x42: {  	_ =	shalt  }
0x43: {  	_ =	shalt  }
0x44: {  	_ =	shalt  }
0x45: {  	_ =	shalt  }
0x46: {  	_ =	shalt  }
0x47: {  	_ =	shalt  }
0x48: {  	_ =	shalt  }
0x49: {  	_ =	shalt  }
0x4a: {  	_ =	shalt  }
0x4b: {  	_ =	shalt  }
0x4c: {  	_ =	shalt  }
0x4d: {  	_ =	shalt  }
0x4e: {  	_ =	shalt  }
0x4f: {  	_ =	shalt  }
0x50: {  	_ =	shalt  }
0x51: {  	_ =	shalt  }
0x52: {  	_ =	shalt  }
0x53: {  	_ =	shalt  }
0x54: {  	_ =	shalt  }
0x55: {  	_ =	shalt  }
0x56: {  	_ =	shalt  }
0x57: {  	_ =	shalt  }
0x58: {  	_ =	shalt  }
0x59: {  	_ =	shalt  }
0x5a: {  	_ =	shalt  }
0x5b: {  	_ =	shalt  }
0x5c: {  	_ =	shalt  }
0x5d: {  	_ =	shalt  }
0x5e: {  	_ =	shalt  }
0x5f: {  	_ =	shalt  }
0x60: {  	_ =	shalt  }
0x61: {  	_ =	shalt  }
0x62: {  	_ =	shalt  }
0x63: {  	_ =	shalt  }
0x64: {  	_ =	shalt  }
0x65: {  	_ =	shalt  }
0x66: {  	_ =	shalt  }
0x67: {  	_ =	shalt  }
0x68: {  	_ =	shalt  }
0x69: {  	_ =	shalt  }
0x6a: {  	_ =	shalt  }
0x6b: {  	_ =	shalt  }
0x6c: {  	_ =	shalt  }
0x6d: {  	_ =	shalt  }
0x6e: {  	_ =	shalt  }
0x6f: {  	_ =	shalt  }
0x70: {  	_ =	shalt  }
0x71: {  	_ =	shalt  }
0x72: {  	_ =	shalt  }
0x73: {  	_ =	shalt  }
0x74: {  	_ =	shalt  }
0x75: {  	_ =	shalt  }
0x76: {  	_ =	shalt  }
0x77: {  	_ =	shalt  }
0x78: {  	_ =	shalt  }
0x79: {  	_ =	shalt  }
0x7a: {  	_ =	shalt  }
0x7b: {  	_ =	shalt  }
0x7c: {  	_ =	shalt  }
0x7d: {  	_ =	shalt  }
0x7e: {  	_ =	shalt  }
0x7f: {  	_ =	shalt  }
0x80: {  	_ =	shalt  }
0x81: {  	_ =	shalt  }
0x82: {  	_ =	shalt  }
0x83: {  	_ =	shalt  }
0x84: {  	_ =	shalt  }
0x85: {  	_ =	shalt  }
0x86: {  	_ =	shalt  }
0x87: {  	_ =	shalt  }
.Lfunc_end0:
.L_simem_size_0:
called_computation_lowered:
.L_overlay_start_0:
0x88: {  	s2 =	sld [smem:$0x3FD9]  }
0x89: {  	s3 =	sld [smem:$0x3FFE];
	_ =	sdelay $0x1  }
0x8a: {  	s1 =	srdreg.scid  }
0x8b: {  	s0 =	sand.u32 $0x1, s1  }
0x8c: {  	s14 =	sshll.u32 s0, $0xA;
	s2 =	sadd.s32 s3, s2  }
0x8d: {  	s2 =	sadd.s32 s2, s14  }
0x8e: {  	[smem:$0x3FC1] =	sst s2  }
0x8f: {  	_ = 	snop  }
0x90: {  	s2 =	sld [smem:$0x3FD0];
	_ =	sdelay $0x2  }
0x91: {  	s15 =	simm.s32 $0xA;
	s4 =	simm.s32 $0x10  }
0x92: {  	[smem:s4], [sflag:s15] =	dma.local [hbm:s2], $0x1  }
0x93: {  	_ =	swait.eq [sflag:s15], $0x1  }
0x94: {  	[sflag:s15] =	ssyncset.done $0x0  }
0x95: {  	[sflag:s15] =	ssyncadd.s32 $0xFFFFFFFF  }
0x96: {  	s16 =	sld [smem:$0x12];
	(tm) =	ssettm $0x1  }
0x97: {  	s17 =	sld [smem:$0x3FFB];
	_ =	sdelay $0x3  }
0x98: {  	_ =	strace s17  }
0x99: {  	s3 =	sld [smem:$0x3FFC];
	_ =	sdelay $0x3  }
0x9a: {  	_ =	strace s3  }
0x9b: {  	s3 =	sld [smem:$0x3FFD];
	_ =	sdelay $0x3  }
0x9c: {  	_ =	strace s3  }
0x9d: {  	_ =	strace $0x8FFFFFFF  }
0x9e: {  	s18 =	sld [smem:$0x3FDB];
	_ =	sdelay $0x1  }
0x9f: {  	s19 =	simm.s32 $_scs_section_size  }
0xa0: {  	s5 =	simm.s32 $_size__tile_overlayer_lowered;
	s6 =	simm.s32 $_tile_overlayer_lowered  }
0xa1: {  	s22 =	simm.s32 $0x1BFF;
	s21 =	sshll.u32 s6, $0x1;
	s3 =	sadd.s32 s19, s18  }
0xa2: {  	s7 =	simm.s32 $0x0;
	s20 =	sshll.u32 s5, $0x1;
	s5 =	sadd.s32 s21, s3  }
0xa3: {  	[timem:s7], [sflag:s22] =	dma.local [hbm:s5], s20  }
0xa4: {  	_ =	swait.ge [sflag:s22], s20  }
0xa5: {  	s4 =	ssub.s32 $0x0, s20;
	[sflag:s22] =	ssyncset.done $0x0  }
0xa6: {  	[sflag:s22] =	ssyncadd.s32 s4;
	_ =	sdelay $0x1  }
0xa7: {  	s23 =	simm.s32 $0x1B8B  }
0xa8: {  	_ =	swait.ge [sflag:s23], $0x1  }
0xa9: {  	[sflag:s23] =	ssyncset.done $0x0  }
0xaa: {  	s25 =	simm.s32 $0x1B8E;
	s24 =	sld [smem:$0x3FFE];
	[sflag:s23] =	ssyncadd.s32 $0xFFFFFFFF  }
0xab: {  	s26 =	simm.s32 $execute0_lowered;
	[smem:$0x3FD2] =	sst s25  }
0xac: {  	s5 =	sshll.u32 s26, $0x1;
	_ =	strace $0x80000046;
	[dreg:$0x1] =	wrdreg $0xFFFFFFFF  }
0xad: {  	s28 =	simm.s32 $_size_execute0_lowered;
	s3 =	sadd.s32 s3, s5;
	[dreg:$0x0] =	wrdreg $0x0  }
0xae: {  	s5 =	sshll.u32 s28, $0x1;
	[dreg:$0x2] =	wrdreg s3  }
0xaf: {  	[dreg:$0x3] =	wrdreg s5  }
0xb0: {  	[dreg:$0x4] =	wrdreg $0xC0  }
0xb1: {  	_ =	task [dreg:s7], $0x5FFFF  }
0xb2: {  	[dreg:$0x1] =	wrdreg $0xFFFFFFFF  }
0xb3: {  	[dreg:$0x0] =	wrdreg $0x60  }
0xb4: {  	[dreg:$0x2] =	wrdreg s24  }
0xb5: {  	[dreg:$0x3] =	wrdreg s16  }
0xb6: {  	[dreg:$0x4] =	wrdreg $0x9  }
0xb7: {  	_ =	task.clear_ibuf [dreg:s7], $0x5FFFF;
	_ =	strace $0x90000046  }
0xb8: {  	s29 =	simm.s32 $0x9;
	_ =	strace $0x80000048  }
0xb9: {  	_ =	swait.ge [sflag:s29], $0x1  }
0xba: {  	[sflag:s29] =	ssyncadd.s32 $0xFFFFFFFF  }
0xbb: {  	_ =	strace $0x90000048  }
0xbc: {  	_ =	sfence  }
0xbd: {  	s30 =	sld [smem:$0x0];
	_ =	sdelay $0x2  }
0xbe: {  	s31 =	sshll.u32 s1, $0xD;
	s1 =	sshrl.u32 s1, $0x2  }
0xbf: {  	s3 =	sand.u32 $0x4000, s31;
	s1 =	sadd.s32 s1, s30  }
0xc0: {  	s0 =	sor.u32 s3, s0;
	s1 =	sshll.u32 s1, $0x11  }
0xc1: {  	s0 =	sor.u32 s1, s0  }
0xc2: {  	s0 =	sadd.s32 $0x8F2B, s0  }
0xc3: {  	[sflag:s0] =	ssyncadd.remote.s32 $0x1  }
0xc4: {  	_ =	sfence.sel $0xFFFF  }
0xc5: {  	[dreg:$0x0] =	wrdreg $0xFFFFFFFF;
	(pc) =	sbr.abs _section_cstart, $3  }
0xc6: {  	[dreg:$0x1] =	wrdreg $0xFFFFFFFF  }
0xc7: {  	_ =	task.clear_ibuf [dreg:s7], $0x2FFFF;
	_ =	strace $0x9FFFFFFF  }
0xc8: {  	(tm) =	ssettm $0x7FFFFFFF  }
0xc9: {  	_ =	shalt  }
tec
execute0_lowered:
.L_overlay_start_1:
0x0: {  	(tag) =	ssettag $0x1  }
0x1: {  	s1 =	srdreg.scid;
	s0 =	stileid.u32  }
0x2: {  	s25 =	sand.u32 $0x1, s1;
	s30 =	sshll.u32 s0, $0x1  }
0x3: {  	s14 =	sor.u32 s25, s30  }
0x4: {  	s15 =	rddreg [dreg:$0x0];
	s24 =	smul.u32 $0x1400, s14  }
0x5: {  	s2 =	rddreg [dreg:$0x1]  }
0x6: {  	s3 =	simm.s32 $0x0;
	s1 =	rddreg [dreg:$0x2];
	s4 =	sshrl.u32 s24, $0x3  }
0x7: {  	[smem:$0x7FF] =	sst s3;
	s6 =	sadd.s32 s4, s15  }
0x8: {  	_ =	strace $0x80000047;
	s4 =	simm.s32 $0x2;
	s5 =	sadd.s32 $0x11000, s6  }
0x9: {  	[tilespmem:s3], [sflag:$0x2] =	stream.linear.gather [hbm4b:s5+s3], $0x1400, $0x38;
	[tilespmem:$0x11800] =	vst v63  }
0xa: {  	_ =	swait.ge [sflag:s4], $0x1400  }
0xb: {  	[sflag:s4] =	ssyncset.done $0x0  }
0xc: {  	s7 =	simm.s32 $0x1400;
	s6 =	sadd.s32 $0xC000, s6;
	[sflag:s4] =	ssyncadd.s32 $0xFFFFEC00  }
0xd: {  	[tilespmem:s7], [sflag:$0x2] =	stream.linear.gather [hbm4b:s6+s3], $0x1400, $0x38;
	[tilespmem:$0x11800] =	vst v63  }
0xe: {  	_ =	swait.ge [sflag:s4], $0x1400  }
0xf: {  	s9 =	simm.s32 $0x500;
	[sflag:s4] =	ssyncset.done $0x0  }
0x10: {  	s10 =	simm.s32 $0x2800;
	s8 =	sadd.s32 $0x2200, s15;
	[sflag:s4] =	ssyncadd.s32 $0xFFFFEC00  }
0x11: {  	[tilespmem:s10], [sflag:$0x1] =	stream.indirect.gather [hbm4b:s8+s9], $0x20, s3, s9, $0xb8;
	[tilespmem:$0x11800] =	vst v63  }
0x12: {  	s11 =	simm.s32 $0xC800;
	s12 =	simm.s32 $0x1  }
0x13: {  	[tilespmem:s11], [sflag:$0x1] =	stream.indirect.gather [hbm4b:s2+s9], $0x10, s7, s9, $0xb8;
	[tilespmem:$0x11800] =	vst v63  }
0x14: {  	_ =	swait.ge [sflag:s12], $0xA000  }
0x15: {  	[sflag:s12] =	ssyncset.done $0x0  }
0x16: {  	[sflag:s12] =	ssyncadd.s32 $0xFFFF6000  }
0x17: {  	s13 =	smul.u32 $0x5000, s14;
	_ =	swait.ge [sflag:s12], $0x5000  }
0x18: {  	s28 =	sadd.s32 $0x66000, s15;
	[sflag:s12] =	ssyncset.done $0x0  }
0x19: {  	s13 =	sadd.s32 s28, s13;
	[sflag:s12] =	ssyncadd.s32 $0xFFFFB000  }
0x1a: {  	[hbm4b:s13+s3] =	stream.linear.scatter [tilespmem:s10], [sflag:$0x2], $0xA000, $0x38;
	[tilespmem:$0x11800] =	vst v63  }
0x1b: {  	s14 =	smul.u32 $0x2800, s14;
	_ =	swait.ge [sflag:s4], $0xA000  }
0x1c: {  	s26 =	sadd.s32 $0x16000, s15;
	[sflag:s4] =	ssyncset.done $0x0  }
0x1d: {  	s14 =	sadd.s32 s26, s14;
	[sflag:s4] =	ssyncadd.s32 $0xFFFF6000  }
0x1e: {  	[hbm4b:s14+s3] =	stream.linear.scatter [tilespmem:s11], [sflag:$0x2], $0x5000, $0x38;
	[tilespmem:$0x11800] =	vst v63  }
0x1f: {  	_ =	swait.ge [sflag:s4], $0x5000  }
0x20: {  	[sflag:s4] =	ssyncset.done $0x0  }
0x21: {  	[sflag:s4] =	ssyncadd.s32 $0xFFFFB000  }
0x22: {  	[tilespmem:s10], [sflag:$0x1] =	stream.indirect.gather [hbm4b:s8+s9], $0x20, s9, s9, $0xb8;
	[tilespmem:$0x11800] =	vst v63  }
0x23: {  	s15 =	simm.s32 $0x1900  }
0x24: {  	[tilespmem:s11], [sflag:$0x1] =	stream.indirect.gather [hbm4b:s2+s9], $0x10, s15, s9, $0xb8;
	[tilespmem:$0x11800] =	vst v63  }
0x25: {  	_ =	swait.ge [sflag:s12], $0xA000  }
0x26: {  	[sflag:s12] =	ssyncset.done $0x0  }
0x27: {  	[sflag:s12] =	ssyncadd.s32 $0xFFFF6000  }
0x28: {  	s17 =	sadd.s32 $0x500, s24;
	_ =	swait.ge [sflag:s12], $0x5000  }
0x29: {  	s16 =	sshll.u32 s17, $0x2;
	[sflag:s12] =	ssyncset.done $0x0  }
0x2a: {  	s16 =	sadd.s32 s28, s16;
	[sflag:s12] =	ssyncadd.s32 $0xFFFFB000  }
0x2b: {  	[hbm4b:s16+s3] =	stream.linear.scatter [tilespmem:s10], [sflag:$0x2], $0xA000, $0x38;
	[tilespmem:$0x11800] =	vst v63  }
0x2c: {  	_ =	swait.ge [sflag:s4], $0xA000  }
0x2d: {  	s17 =	sshll.u32 s17, $0x1;
	[sflag:s4] =	ssyncset.done $0x0  }
0x2e: {  	s17 =	sadd.s32 s26, s17;
	[sflag:s4] =	ssyncadd.s32 $0xFFFF6000  }
0x2f: {  	[hbm4b:s17+s3] =	stream.linear.scatter [tilespmem:s11], [sflag:$0x2], $0x5000, $0x38;
	[tilespmem:$0x11800] =	vst v63  }
0x30: {  	_ =	swait.ge [sflag:s4], $0x5000  }
0x31: {  	[sflag:s4] =	ssyncset.done $0x0  }
0x32: {  	s18 =	simm.s32 $0xA00;
	[sflag:s4] =	ssyncadd.s32 $0xFFFFB000  }
0x33: {  	[tilespmem:s10], [sflag:$0x1] =	stream.indirect.gather [hbm4b:s8+s9], $0x20, s18, s9, $0xb8;
	[tilespmem:$0x11800] =	vst v63  }
0x34: {  	s19 =	simm.s32 $0x1E00  }
0x35: {  	[tilespmem:s11], [sflag:$0x1] =	stream.indirect.gather [hbm4b:s2+s9], $0x10, s19, s9, $0xb8;
	[tilespmem:$0x11800] =	vst v63  }
0x36: {  	_ =	swait.ge [sflag:s12], $0xA000  }
0x37: {  	[sflag:s12] =	ssyncset.done $0x0  }
0x38: {  	[sflag:s12] =	ssyncadd.s32 $0xFFFF6000  }
0x39: {  	s21 =	sadd.s32 $0xA00, s24;
	_ =	swait.ge [sflag:s12], $0x5000  }
0x3a: {  	s20 =	sshll.u32 s21, $0x2;
	[sflag:s12] =	ssyncset.done $0x0  }
0x3b: {  	s20 =	sadd.s32 s28, s20;
	[sflag:s12] =	ssyncadd.s32 $0xFFFFB000  }
0x3c: {  	[hbm4b:s20+s3] =	stream.linear.scatter [tilespmem:s10], [sflag:$0x2], $0xA000, $0x38;
	[tilespmem:$0x11800] =	vst v63  }
0x3d: {  	_ =	swait.ge [sflag:s4], $0xA000  }
0x3e: {  	s21 =	sshll.u32 s21, $0x1;
	[sflag:s4] =	ssyncset.done $0x0  }
0x3f: {  	s21 =	sadd.s32 s26, s21;
	[sflag:s4] =	ssyncadd.s32 $0xFFFF6000  }
0x40: {  	[hbm4b:s21+s3] =	stream.linear.scatter [tilespmem:s11], [sflag:$0x2], $0x5000, $0x38;
	[tilespmem:$0x11800] =	vst v63  }
0x41: {  	_ =	swait.ge [sflag:s4], $0x5000  }
0x42: {  	[sflag:s4] =	ssyncset.done $0x0  }
0x43: {  	s22 =	simm.s32 $0xF00;
	[sflag:s4] =	ssyncadd.s32 $0xFFFFB000  }
0x44: {  	[tilespmem:s10], [sflag:$0x1] =	stream.indirect.gather [hbm4b:s8+s9], $0x20, s22, s9, $0xb8;
	[tilespmem:$0x11800] =	vst v63  }
0x45: {  	s23 =	simm.s32 $0x2300  }
0x46: {  	[tilespmem:s11], [sflag:$0x1] =	stream.indirect.gather [hbm4b:s2+s9], $0x10, s23, s9, $0xb8;
	[tilespmem:$0x11800] =	vst v63  }
0x47: {  	_ =	swait.ge [sflag:s12], $0xA000  }
0x48: {  	[sflag:s12] =	ssyncset.done $0x0  }
0x49: {  	s25 =	ssub.s32 $0x2, s25;
	s29 =	sadd.s32 $0xF00, s24;
	[sflag:s12] =	ssyncadd.s32 $0xFFFF6000  }
0x4a: {  	s31 =	sshrl.u32 s25, $0x1;
	s24 =	sshll.u32 s29, $0x2;
	_ =	swait.ge [sflag:s12], $0x5000  }
0x4b: {  	s24 =	sadd.s32 s28, s24;
	s28 =	ssub.s32 s25, s31;
	[sflag:s12] =	ssyncset.done $0x0  }
0x4c: {  	s31 =	smax.u32 s28, $0x1;
	[sflag:s12] =	ssyncadd.s32 $0xFFFFB000  }
0x4d: {  	[hbm4b:s24+s3] =	stream.linear.scatter [tilespmem:s10], [sflag:$0x2], $0xA000, $0x38;
	[tilespmem:$0x11800] =	vst v63  }
0x4e: {  	p0 =	sne.s32 s31, $0x1;
	_ =	swait.ge [sflag:s4], $0xA000  }
.Ltmp0:
0x4f: {  	s30 =	sshll.u32 s29, $0x1;
	[sflag:s4] =	ssyncset.done $0x0;
	(pc) =	sbr.rel @!p0 .LBB2_2-.Ltmp0, $4  }
0x50: {  	s25 =	sadd.s32 s26, s30;
	[sflag:s4] =	ssyncadd.s32 $0xFFFF6000  }
0x51: {  	[hbm4b:s25+s3] =	stream.linear.scatter [tilespmem:s11], [sflag:$0x2], $0x5000, $0x38;
	[tilespmem:$0x11800] =	vst v63  }
0x52: {  	_ =	swait.ge [sflag:s4], $0x5000  }
0x53: {  	s26 =	sadd.s32 $0xFFFFFFFF, s31;
	[sflag:s4] =	ssyncset.done $0x0  }
.LBB2_1:
0x54: {  	p0 =	sne.s32 s26, $0x1;
	s26 =	sadd.s32 $0xFFFFFFFF, s26;
	[sflag:s4] =	ssyncadd.s32 $0xFFFFB000  }
0x55: {  	[tilespmem:s3], [sflag:$0x2] =	stream.linear.gather [hbm4b:s5+s3], $0x1400, $0x38;
	[tilespmem:$0x11800] =	vst v63  }
0x56: {  	_ =	swait.ge [sflag:s4], $0x1400  }
0x57: {  	[sflag:s4] =	ssyncset.done $0x0  }
0x58: {  	[sflag:s4] =	ssyncadd.s32 $0xFFFFEC00  }
0x59: {  	[tilespmem:s7], [sflag:$0x2] =	stream.linear.gather [hbm4b:s6+s3], $0x1400, $0x38;
	[tilespmem:$0x11800] =	vst v63  }
0x5a: {  	_ =	swait.ge [sflag:s4], $0x1400  }
0x5b: {  	[sflag:s4] =	ssyncset.done $0x0  }
0x5c: {  	[sflag:s4] =	ssyncadd.s32 $0xFFFFEC00  }
0x5d: {  	[tilespmem:s10], [sflag:$0x1] =	stream.indirect.gather [hbm4b:s8+s9], $0x20, s3, s9, $0xb8;
	[tilespmem:$0x11800] =	vst v63  }
0x5e: {  	_ = 	snop  }
0x5f: {  	[tilespmem:s11], [sflag:$0x1] =	stream.indirect.gather [hbm4b:s2+s9], $0x10, s7, s9, $0xb8;
	[tilespmem:$0x11800] =	vst v63  }
0x60: {  	_ =	swait.ge [sflag:s12], $0xA000  }
0x61: {  	[sflag:s12] =	ssyncset.done $0x0  }
0x62: {  	[sflag:s12] =	ssyncadd.s32 $0xFFFF6000  }
0x63: {  	_ =	swait.ge [sflag:s12], $0x5000  }
0x64: {  	[sflag:s12] =	ssyncset.done $0x0  }
0x65: {  	[sflag:s12] =	ssyncadd.s32 $0xFFFFB000  }
0x66: {  	[hbm4b:s13+s3] =	stream.linear.scatter [tilespmem:s10], [sflag:$0x2], $0xA000, $0x38;
	[tilespmem:$0x11800] =	vst v63  }
0x67: {  	_ =	swait.ge [sflag:s4], $0xA000  }
0x68: {  	[sflag:s4] =	ssyncset.done $0x0  }
0x69: {  	[sflag:s4] =	ssyncadd.s32 $0xFFFF6000  }
0x6a: {  	[hbm4b:s14+s3] =	stream.linear.scatter [tilespmem:s11], [sflag:$0x2], $0x5000, $0x38;
	[tilespmem:$0x11800] =	vst v63  }
0x6b: {  	_ =	swait.ge [sflag:s4], $0x5000  }
0x6c: {  	[sflag:s4] =	ssyncset.done $0x0  }
0x6d: {  	[sflag:s4] =	ssyncadd.s32 $0xFFFFB000  }
0x6e: {  	[tilespmem:s10], [sflag:$0x1] =	stream.indirect.gather [hbm4b:s8+s9], $0x20, s9, s9, $0xb8;
	[tilespmem:$0x11800] =	vst v63  }
0x6f: {  	_ = 	snop  }
0x70: {  	[tilespmem:s11], [sflag:$0x1] =	stream.indirect.gather [hbm4b:s2+s9], $0x10, s15, s9, $0xb8;
	[tilespmem:$0x11800] =	vst v63  }
0x71: {  	_ =	swait.ge [sflag:s12], $0xA000  }
0x72: {  	[sflag:s12] =	ssyncset.done $0x0  }
0x73: {  	[sflag:s12] =	ssyncadd.s32 $0xFFFF6000  }
0x74: {  	_ =	swait.ge [sflag:s12], $0x5000  }
0x75: {  	[sflag:s12] =	ssyncset.done $0x0  }
0x76: {  	[sflag:s12] =	ssyncadd.s32 $0xFFFFB000  }
0x77: {  	[hbm4b:s16+s3] =	stream.linear.scatter [tilespmem:s10], [sflag:$0x2], $0xA000, $0x38;
	[tilespmem:$0x11800] =	vst v63  }
0x78: {  	_ =	swait.ge [sflag:s4], $0xA000  }
0x79: {  	[sflag:s4] =	ssyncset.done $0x0  }
0x7a: {  	[sflag:s4] =	ssyncadd.s32 $0xFFFF6000  }
0x7b: {  	[hbm4b:s17+s3] =	stream.linear.scatter [tilespmem:s11], [sflag:$0x2], $0x5000, $0x38;
	[tilespmem:$0x11800] =	vst v63  }
0x7c: {  	_ =	swait.ge [sflag:s4], $0x5000  }
0x7d: {  	[sflag:s4] =	ssyncset.done $0x0  }
0x7e: {  	[sflag:s4] =	ssyncadd.s32 $0xFFFFB000  }
0x7f: {  	[tilespmem:s10], [sflag:$0x1] =	stream.indirect.gather [hbm4b:s8+s9], $0x20, s18, s9, $0xb8;
	[tilespmem:$0x11800] =	vst v63  }
0x80: {  	_ = 	snop  }
0x81: {  	[tilespmem:s11], [sflag:$0x1] =	stream.indirect.gather [hbm4b:s2+s9], $0x10, s19, s9, $0xb8;
	[tilespmem:$0x11800] =	vst v63  }
0x82: {  	_ =	swait.ge [sflag:s12], $0xA000  }
0x83: {  	[sflag:s12] =	ssyncset.done $0x0  }
0x84: {  	[sflag:s12] =	ssyncadd.s32 $0xFFFF6000  }
0x85: {  	_ =	swait.ge [sflag:s12], $0x5000  }
0x86: {  	[sflag:s12] =	ssyncset.done $0x0  }
0x87: {  	[sflag:s12] =	ssyncadd.s32 $0xFFFFB000  }
0x88: {  	[hbm4b:s20+s3] =	stream.linear.scatter [tilespmem:s10], [sflag:$0x2], $0xA000, $0x38;
	[tilespmem:$0x11800] =	vst v63  }
0x89: {  	_ =	swait.ge [sflag:s4], $0xA000  }
0x8a: {  	[sflag:s4] =	ssyncset.done $0x0  }
0x8b: {  	[sflag:s4] =	ssyncadd.s32 $0xFFFF6000  }
0x8c: {  	[hbm4b:s21+s3] =	stream.linear.scatter [tilespmem:s11], [sflag:$0x2], $0x5000, $0x38;
	[tilespmem:$0x11800] =	vst v63  }
0x8d: {  	_ =	swait.ge [sflag:s4], $0x5000  }
0x8e: {  	[sflag:s4] =	ssyncset.done $0x0  }
0x8f: {  	[sflag:s4] =	ssyncadd.s32 $0xFFFFB000  }
0x90: {  	[tilespmem:s10], [sflag:$0x1] =	stream.indirect.gather [hbm4b:s8+s9], $0x20, s22, s9, $0xb8;
	[tilespmem:$0x11800] =	vst v63  }
0x91: {  	_ = 	snop  }
0x92: {  	[tilespmem:s11], [sflag:$0x1] =	stream.indirect.gather [hbm4b:s2+s9], $0x10, s23, s9, $0xb8;
	[tilespmem:$0x11800] =	vst v63  }
0x93: {  	_ =	swait.ge [sflag:s12], $0xA000  }
0x94: {  	[sflag:s12] =	ssyncset.done $0x0  }
0x95: {  	[sflag:s12] =	ssyncadd.s32 $0xFFFF6000  }
0x96: {  	_ =	swait.ge [sflag:s12], $0x5000  }
0x97: {  	[sflag:s12] =	ssyncset.done $0x0  }
0x98: {  	[sflag:s12] =	ssyncadd.s32 $0xFFFFB000  }
0x99: {  	[hbm4b:s24+s3] =	stream.linear.scatter [tilespmem:s10], [sflag:$0x2], $0xA000, $0x38;
	[tilespmem:$0x11800] =	vst v63  }
0x9a: {  	_ =	swait.ge [sflag:s4], $0xA000  }
.Ltmp1:
0x9b: {  	[sflag:s4] =	ssyncset.done $0x0;
	(pc) =	sbr.rel @p0 .LBB2_1-.Ltmp1, $4  }
0x9c: {  	[sflag:s4] =	ssyncadd.s32 $0xFFFF6000  }
0x9d: {  	[hbm4b:s25+s3] =	stream.linear.scatter [tilespmem:s11], [sflag:$0x2], $0x5000, $0x38;
	[tilespmem:$0x11800] =	vst v63  }
0x9e: {  	_ =	swait.ge [sflag:s4], $0x5000  }
0x9f: {  	[sflag:s4] =	ssyncset.done $0x0  }
.LBB2_2:
0xa0: {  	[sflag:s4] =	ssyncadd.s32 $0xFFFFB000  }
0xa1: {  	_ =	sfence.sel $0x180000  }
0xa2: {  	[bflag:$0x0] =	sbarrier.arrive $0xFFFF  }
0xa3: {  	p0 =	sne.s32 s0, $0x0;
	_ =	strace $0x90000047  }
0xa4: {  	s0 =	sadd.s32 @!p0 $0x100000, s1;
	[bflag:$0x2] =	sbarrier.arrive $0xFFFF  }
0xa5: {  	[sflag:s0] =	ssyncadd.tile.s32 @!p0 $0x1;
	_ =	shalt  }
.Lfunc_end2:
_tile_overlayer_lowered:
.L_overlay_start_2:
0xa6: {  	(tag) =	ssettag $0x2  }
0xa7: {  	s0 =	rddreg [dreg:$0x0];
	s2 =	stileid.u32  }
0xa8: {  	s1 =	rddreg [dreg:$0x1];
	p0 =	sne.s32 s2, $0x0  }
0xa9: {  	s3 =	rddreg [dreg:$0x2];
	[bflag:$0x3] =	sbarrier.arrive $0xFFFF;
	s2 =	simm.s32 @!p0 $0x1C02  }
0xaa: {  	[timem:s3], [sflag:s2] =	dma.local @!p0 [hbm:s0], s1  }
0xab: {  	s0 =	simm.s32 @!p0 $0x2  }
0xac: {  	_ =	swait.ge @!p0 [sflag:s0], s1  }
0xad: {  	s1 =	ssub.s32 @!p0 $0x0, s1;
	[sflag:s0] =	ssyncset.done @!p0 $0x0  }
0xae: {  	[sflag:s0] =	ssyncadd.s32 @!p0 s1  }
0xaf: {  	[bflag:$0x3] =	sbarrier.arrive $0xFFFF  }
0xb0: {  	_ =	shalt  }

// kernel: kernel.9.cloned.1.call-start
scs
__scs_entry_jumppad:
0x0: {  	(pc) =	sbr.rel $0x88, $3  }
0x1: {  	(tag) =	ssettag $0x0;
	lr =	simm.s32 $0x1  }
0x2: {  	[smem:$0x3F9A] =	sst lr;
	_ =	strace $0xD0000000  }
0x3: {  	_ = 	snop  }
0x4: {  	_ = 	snop  }
0x5: {  	_ = 	snop  }
0x6: {  	_ = 	snop  }
0x7: {  	_ = 	snop  }
__scs_overlays_trampoline_lowered:
0x8: {  	[smem:$0x3FA9] =	sst s0  }
0x9: {  	[smem:$0x3FAA] =	sst s1  }
0xa: {  	[smem:$0x3FAB] =	sst s2  }
0xb: {  	[smem:$0x3FAC] =	sst s3  }
0xc: {  	[smem:$0x3FAD] =	sst s4  }
0xd: {  	[smem:$0x3FAE] =	sst s5  }
0xe: {  	[smem:$0x3FAF] =	sst s6  }
0xf: {  	[smem:$0x3FB0] =	sst s7  }
0x10: {  	[smem:$0x3FB1] =	sst s8  }
0x11: {  	[smem:$0x3FB2] =	sst s9;
	s0 =	simm.s32 @!p0 $0x0  }
0x12: {  	s1 =	sld [smem:$0x3F98];
	s0 =	simm.s32 @p0 $0x1  }
0x13: {  	[smem:$0x3FB3] =	sst s0;
	s0 =	simm.s32 @!p1 $0x0  }
0x14: {  	s2 =	sld [smem:$0x3F97];
	s0 =	simm.s32 @p1 $0x1  }
0x15: {  	[smem:$0x3FB4] =	sst s0;
	s0 =	simm.s32 @!p2 $0x0  }
0x16: {  	s3 =	sld [smem:$0x3FDB];
	s0 =	simm.s32 @p2 $0x1  }
0x17: {  	s4 =	simm.s32 $0x1BF5;
	[smem:$0x3FB6] =	sst s0  }
0x18: {  	s0 =	sld [smem:$0x3F99];
	_ =	swait.ge [sflag:s4], $0x0  }
0x19: {  	s7 =	sld [smem:$0x3F9A]  }
0x1a: {  	s8 =	sadd.s32 $0xFFFFE003, lr  }
0x1b: {  	s9 =	sadd.s32 $0xFFFFFEF7, lr;
	s5 =	simm.s32 $0xFFFFFFFF;
	p2 =	slt.u32 s8, $0xFFFFF086  }
0x1c: {  	p1 =	slt.u32 s9, $0xF7A;
	s5 =	simm.s32 @!p2 $0x0  }
0x1d: {  	s5 =	simm.s32 @p1 $0x1;
	p0 =	seq.s32 s7, s2  }
0x1e: {  	s7 =	smul.u32 @!p0 $0xF7A, s2;
	p2 =	seq.s32 @!p0 s5, $0x0  }
0x1f: {  	s9 =	smul.u32 $0xF7A, s1;
	s8 =	simm.s32 @!p0 $0x1BF5;
	p2 =	por !p2, p0  }
0x20: {  	[sflag:s8] =	ssyncset.s32 @!p0 $0xFFFFF086;
	s6 =	sadd.s32 @!p0 s3, s7;
	s7 =	simm.s32 @!p0 $0x108  }
0x21: {  	s3 =	sadd.s32 s3, s9;
	s6 =	sadd.s32 @!p0 $0x88, s6;
	s7 =	simm.s32 @p2 $0x1082  }
0x22: {  	[simem:s7], [sflag:s8] =	dma.local @!p0 [hbm:s6], $0xF7A  }
0x23: {  	s9 =	sor.u32 $0xD0000000, s2;
	s6 =	simm.s32 $0x108;
	_ =	swait.ge @!p0 [sflag:s8], $0x0  }
0x24: {  	s3 =	sadd.s32 $0x88, s3;
	s6 =	simm.s32 @!p1 $0x1082;
	[sflag:s4] =	ssyncset.s32 $0xFFFFF086  }
0x25: {  	[simem:s6], [sflag:s4] =	dma.local [hbm:s3], $0xF7A  }
0x26: {  	[smem:$0x3F9A] =	sst s1;
	(tag) =	ssettag s2;
	_ =	strace s9  }
0x27: {  	s1 =	sld [smem:$0x3FAA]  }
0x28: {  	s2 =	sld [smem:$0x3FAB]  }
0x29: {  	s4 =	sld [smem:$0x3FAD]  }
0x2a: {  	p0 =	seq.s32 s5, $0x0;
	s5 =	sld [smem:$0x3FAE]  }
0x2b: {  	s6 =	sld [smem:$0x3FAF]  }
0x2c: {  	s7 =	sld [smem:$0x3FB0]  }
0x2d: {  	s3 =	simm.s32 $0x108;
	s8 =	sld [smem:$0x3FB1]  }
0x2e: {  	s3 =	simm.s32 @!p0 $0x1082;
	s9 =	sld [smem:$0x3FB2]  }
0x2f: {  	lr =	sadd.s32 s0, s3;
	s0 =	sld [smem:$0x3FA9]  }
0x30: {  	s3 =	sld [smem:$0x3FAC]  }
0x31: {  	[smem:$0x3FB5] =	sst s10  }
0x32: {  	s10 =	sld [smem:$0x3FB3];
	_ =	sdelay $0x3  }
0x33: {  	p0 =	seq.s32 s10, $0x1;
	s10 =	sld [smem:$0x3FB5];
	_ =	sdelay $0x3  }
0x34: {  	[smem:$0x3FB5] =	sst s10  }
0x35: {  	s10 =	sld [smem:$0x3FB4];
	_ =	sdelay $0x3  }
0x36: {  	p1 =	seq.s32 s10, $0x1;
	s10 =	sld [smem:$0x3FB5];
	_ =	sdelay $0x3  }
0x37: {  	[smem:$0x3FB5] =	sst s10  }
0x38: {  	s10 =	sld [smem:$0x3FB6]  }
0x39: {  	_ = 	snop;
	(pc) =	sbr.ind lr, $3  }
0x3a: {  	_ = 	snop  }
0x3b: {  	_ = 	snop  }
0x3c: {  	p2 =	seq.s32 s10, $0x1;
	s10 =	sld [smem:$0x3FB5]  }
0x3d: {  	_ =	shalt  }
0x3e: {  	_ =	shalt  }
0x3f: {  	_ =	shalt  }
0x40: {  	_ =	shalt  }
0x41: {  	_ =	shalt  }
0x42: {  	_ =	shalt  }
0x43: {  	_ =	shalt  }
0x44: {  	_ =	shalt  }
0x45: {  	_ =	shalt  }
0x46: {  	_ =	shalt  }
0x47: {  	_ =	shalt  }
0x48: {  	_ =	shalt  }
0x49: {  	_ =	shalt  }
0x4a: {  	_ =	shalt  }
0x4b: {  	_ =	shalt  }
0x4c: {  	_ =	shalt  }
0x4d: {  	_ =	shalt  }
0x4e: {  	_ =	shalt  }
0x4f: {  	_ =	shalt  }
0x50: {  	_ =	shalt  }
0x51: {  	_ =	shalt  }
0x52: {  	_ =	shalt  }
0x53: {  	_ =	shalt  }
0x54: {  	_ =	shalt  }
0x55: {  	_ =	shalt  }
0x56: {  	_ =	shalt  }
0x57: {  	_ =	shalt  }
0x58: {  	_ =	shalt  }
0x59: {  	_ =	shalt  }
0x5a: {  	_ =	shalt  }
0x5b: {  	_ =	shalt  }
0x5c: {  	_ =	shalt  }
0x5d: {  	_ =	shalt  }
0x5e: {  	_ =	shalt  }
0x5f: {  	_ =	shalt  }
0x60: {  	_ =	shalt  }
0x61: {  	_ =	shalt  }
0x62: {  	_ =	shalt  }
0x63: {  	_ =	shalt  }
0x64: {  	_ =	shalt  }
0x65: {  	_ =	shalt  }
0x66: {  	_ =	shalt  }
0x67: {  	_ =	shalt  }
0x68: {  	_ =	shalt  }
0x69: {  	_ =	shalt  }
0x6a: {  	_ =	shalt  }
0x6b: {  	_ =	shalt  }
0x6c: {  	_ =	shalt  }
0x6d: {  	_ =	shalt  }
0x6e: {  	_ =	shalt  }
0x6f: {  	_ =	shalt  }
0x70: {  	_ =	shalt  }
0x71: {  	_ =	shalt  }
0x72: {  	_ =	shalt  }
0x73: {  	_ =	shalt  }
0x74: {  	_ =	shalt  }
0x75: {  	_ =	shalt  }
0x76: {  	_ =	shalt  }
0x77: {  	_ =	shalt  }
0x78: {  	_ =	shalt  }
0x79: {  	_ =	shalt  }
0x7a: {  	_ =	shalt  }
0x7b: {  	_ =	shalt  }
0x7c: {  	_ =	shalt  }
0x7d: {  	_ =	shalt  }
0x7e: {  	_ =	shalt  }
0x7f: {  	_ =	shalt  }
0x80: {  	_ =	shalt  }
0x81: {  	_ =	shalt  }
0x82: {  	_ =	shalt  }
0x83: {  	_ =	shalt  }
0x84: {  	_ =	shalt  }
0x85: {  	_ =	shalt  }
0x86: {  	_ =	shalt  }
0x87: {  	_ =	shalt  }
.Lfunc_end0:
.L_simem_size_0:
called_computation.1_lowered:
.L_overlay_start_0:
0x88: {  	s2 =	sld [smem:$0x3FD9]  }
0x89: {  	s3 =	sld [smem:$0x3FFE];
	_ =	sdelay $0x1  }
0x8a: {  	s1 =	srdreg.scid  }
0x8b: {  	s0 =	sand.u32 $0x1, s1  }
0x8c: {  	s14 =	sshll.u32 s0, $0xA;
	s2 =	sadd.s32 s3, s2  }
0x8d: {  	s2 =	sadd.s32 s2, s14  }
0x8e: {  	[smem:$0x3FC1] =	sst s2  }
0x8f: {  	_ = 	snop  }
0x90: {  	s2 =	sld [smem:$0x3FD0];
	_ =	sdelay $0x2  }
0x91: {  	s15 =	simm.s32 $0xA;
	s4 =	simm.s32 $0x10  }
0x92: {  	[smem:s4], [sflag:s15] =	dma.local [hbm:s2], $0x1  }
0x93: {  	_ =	swait.eq [sflag:s15], $0x1  }
0x94: {  	[sflag:s15] =	ssyncset.done $0x0  }
0x95: {  	[sflag:s15] =	ssyncadd.s32 $0xFFFFFFFF  }
0x96: {  	s16 =	sld [smem:$0x12];
	(tm) =	ssettm $0x1  }
0x97: {  	s17 =	sld [smem:$0x3FFB];
	_ =	sdelay $0x3  }
0x98: {  	_ =	strace s17  }
0x99: {  	s3 =	sld [smem:$0x3FFC];
	_ =	sdelay $0x3  }
0x9a: {  	_ =	strace s3  }
0x9b: {  	s3 =	sld [smem:$0x3FFD];
	_ =	sdelay $0x3  }
0x9c: {  	_ =	strace s3  }
0x9d: {  	_ =	strace $0x8FFFFFFF  }
0x9e: {  	s18 =	sld [smem:$0x3FDB];
	_ =	sdelay $0x1  }
0x9f: {  	s19 =	simm.s32 $_scs_section_size  }
0xa0: {  	s5 =	simm.s32 $_size__tile_overlayer_lowered;
	s6 =	simm.s32 $_tile_overlayer_lowered  }
0xa1: {  	s22 =	simm.s32 $0x1BFF;
	s21 =	sshll.u32 s6, $0x1;
	s3 =	sadd.s32 s19, s18  }
0xa2: {  	s7 =	simm.s32 $0x0;
	s20 =	sshll.u32 s5, $0x1;
	s5 =	sadd.s32 s21, s3  }
0xa3: {  	[timem:s7], [sflag:s22] =	dma.local [hbm:s5], s20  }
0xa4: {  	_ =	swait.ge [sflag:s22], s20  }
0xa5: {  	s4 =	ssub.s32 $0x0, s20;
	[sflag:s22] =	ssyncset.done $0x0  }
0xa6: {  	[sflag:s22] =	ssyncadd.s32 s4;
	_ =	sdelay $0x1  }
0xa7: {  	s23 =	simm.s32 $0x1B8B  }
0xa8: {  	_ =	swait.ge [sflag:s23], $0x1  }
0xa9: {  	[sflag:s23] =	ssyncset.done $0x0  }
0xaa: {  	s25 =	simm.s32 $0x1B8E;
	s24 =	sld [smem:$0x3FFE];
	[sflag:s23] =	ssyncadd.s32 $0xFFFFFFFF  }
0xab: {  	s26 =	simm.s32 $execute0_lowered;
	[smem:$0x3FD2] =	sst s25  }
0xac: {  	s5 =	sshll.u32 s26, $0x1;
	_ =	strace $0x80000049;
	[dreg:$0x1] =	wrdreg $0xFFFFFFFF  }
0xad: {  	s28 =	simm.s32 $_size_execute0_lowered;
	s3 =	sadd.s32 s3, s5;
	[dreg:$0x0] =	wrdreg $0x0  }
0xae: {  	s5 =	sshll.u32 s28, $0x1;
	[dreg:$0x2] =	wrdreg s3  }
0xaf: {  	[dreg:$0x3] =	wrdreg s5  }
0xb0: {  	[dreg:$0x4] =	wrdreg $0xC0  }
0xb1: {  	_ =	task [dreg:s7], $0x5FFFF  }
0xb2: {  	[dreg:$0x1] =	wrdreg $0xFFFFFFFF  }
0xb3: {  	[dreg:$0x0] =	wrdreg $0x60  }
0xb4: {  	[dreg:$0x2] =	wrdreg s24  }
0xb5: {  	[dreg:$0x3] =	wrdreg s16  }
0xb6: {  	[dreg:$0x4] =	wrdreg $0x1C000  }
0xb7: {  	[dreg:$0x5] =	wrdreg $0x9  }
0xb8: {  	_ =	task.clear_ibuf [dreg:s7], $0x6FFFF;
	_ =	strace $0x90000049  }
0xb9: {  	s29 =	simm.s32 $0x9;
	_ =	strace $0x8000004B  }
0xba: {  	_ =	swait.ge [sflag:s29], $0x1  }
0xbb: {  	[sflag:s29] =	ssyncadd.s32 $0xFFFFFFFF  }
0xbc: {  	_ =	strace $0x9000004B  }
0xbd: {  	_ =	sfence  }
0xbe: {  	s30 =	sld [smem:$0x0];
	_ =	sdelay $0x2  }
0xbf: {  	s31 =	sshll.u32 s1, $0xD;
	s1 =	sshrl.u32 s1, $0x2  }
0xc0: {  	s3 =	sand.u32 $0x4000, s31;
	s1 =	sadd.s32 s1, s30  }
0xc1: {  	s0 =	sor.u32 s3, s0;
	s1 =	sshll.u32 s1, $0x11  }
0xc2: {  	s0 =	sor.u32 s1, s0  }
0xc3: {  	s0 =	sadd.s32 $0x8F2B, s0  }
0xc4: {  	[sflag:s0] =	ssyncadd.remote.s32 $0x1  }
0xc5: {  	_ =	sfence.sel $0xFFFF  }
0xc6: {  	[dreg:$0x0] =	wrdreg $0xFFFFFFFF;
	(pc) =	sbr.abs _section_cstart, $3  }
0xc7: {  	[dreg:$0x1] =	wrdreg $0xFFFFFFFF  }
0xc8: {  	_ =	task.clear_ibuf [dreg:s7], $0x2FFFF;
	_ =	strace $0x9FFFFFFF  }
0xc9: {  	(tm) =	ssettm $0x7FFFFFFF  }
tec
execute0_lowered:
.L_overlay_start_1:
0x0: {  	(tag) =	ssettag $0x1  }
0x1: {  	s4 =	rddreg [dreg:$0x0]  }
0x2: {  	s0 =	stileid.u32;
	s6 =	rddreg [dreg:$0x1]  }
0x3: {  	s1 =	srdreg.scid;
	s2 =	rddreg [dreg:$0x2]  }
0x4: {  	s3 =	simm.s32 $0x0;
	s14 =	simm.s32 $0x0;
	s7 =	smul.u32 $0x5000, s0  }
0x5: {  	s5 =	sand.u32 $0x1, s1;
	s23 =	sshll.u32 s0, $0x1;
	s9 =	smul.u32 $0x2710, s0  }
0x6: {  	[smem:$0x7FF] =	sst s3;
	s30 =	sshll.u32 s0, $0x6;
	s10 =	smul.u32 $0x27100, s5  }
0x7: {  	s1 =	sor.u32 s5, s23;
	s26 =	ssub.s32 $0x2, s5;
	s13 =	smul.u32 $0x2800, s5  }
0x8: {  	s5 =	sor.u32 $0x1C01, s30;
	s8 =	smul.u32 $0x1400, s1;
	s1 =	rddreg [dreg:$0x3]  }
0x9: {  	_ =	strace $0x8000004A;
	s11 =	sadd.s32 s7, s4;
	s12 =	sshrl.u32 s26, $0x1  }
0xa: {  	s28 =	sadd.s32 s9, s2;
	s29 =	sshrl.u32 s9, $0x3;
	s25 =	sadd.s32 s9, s10  }
0xb: {  	s10 =	ssub.s32 s26, s12;
	s31 =	sadd.s32 s13, s11;
	s11 =	simm.s32 $0x1  }
0xc: {  	s12 =	simm.s32 $0x1400;
	s13 =	simm.s32 $0x80;
	s24 =	sshrl.u32 s8, $0x3  }
0xd: {  	s8 =	sshrl.u32 s25, $0x3;
	s9 =	sadd.s32 $0x11000, s31;
	s7 =	sadd.s32 s24, s4  }
0xe: {  	s8 =	sadd.s32 s8, s4;
	s4 =	sadd.s32 s6, s29;
	s6 =	sadd.s32 $0xC000, s7  }
0xf: {  	s7 =	sadd.s32 $0x2200, s8;
	s8 =	smax.u32 s10, $0x1;
	s10 =	sshrl.u32 s28, $0x3  }
.LBB2_1:
0x10: {  	[spmem:s10], [sflag:s5] =	dma.local [hbm:s4], $0x4E2  }
0x11: {  	_ =	swait.ge [sflag:s11], $0x4E2  }
0x12: {  	[sflag:s11] =	ssyncset.done $0x0  }
0x13: {  	[sflag:s11] =	ssyncadd.s32 $0xFFFFFB1E  }
0x14: {  	[tilespmem:s3], [sflag:$0x1] =	stream.linear.gather [hbm4b:s6+s3], $0x1400, $0x38;
	[tilespmem:$0x4318] =	vst v63  }
0x15: {  	_ =	swait.ge [sflag:s11], $0x1400  }
0x16: {  	[sflag:s11] =	ssyncset.done $0x0  }
0x17: {  	[sflag:s11] =	ssyncadd.s32 $0xFFFFEC00  }
0x18: {  	s15 =	sadd.s32 $0x0, s9;
	[bflag:$0x0] =	sbarrier.arrive $0xFFFF  }
0x19: {  	[tilespmem:s12], [sflag:$0x1] =	stream.linear.gather [hbm4b:s15+s3], $0x800, $0x38;
	[tilespmem:$0x4318] =	vst v63  }
0x1a: {  	_ =	swait.ge [sflag:s11], $0x800  }
0x1b: {  	[sflag:s11] =	ssyncset.done $0x0  }
0x1c: {  	[sflag:s11] =	ssyncadd.s32 $0xFFFFF800  }
0x1d: {  	[spmem:s2] =	stream.indirect.scatter.add.f32 [tilespmem:s12], [sflag:$0x1], $0x10, s3, s13, $0xb8;
	[tilespmem:$0x4318] =	vst v63  }
0x1e: {  	s16 =	simm.s32 $0x100;
	_ =	swait.ge [sflag:s11], $0x800  }
0x1f: {  	s17 =	simm.s32 $0x200;
	s15 =	simm.s32 $0x80;
	[sflag:s11] =	ssyncset.done $0x0  }
.LBB2_2:
0x20: {  	s18 =	sadd.s32 s16, s9  }
0x21: {  	[sflag:s11] =	ssyncadd.s32 $0xFFFFF800;
	s16 =	smov.u32 s17;
	s19 =	sadd.s32 $0x100, s17  }
0x22: {  	[tilespmem:s12], [sflag:$0x1] =	stream.linear.gather [hbm4b:s18+s3], $0x800, $0x38;
	[tilespmem:$0x4318] =	vst v63  }
0x23: {  	p0 =	sne.s32 s17, $0x2700;
	_ =	swait.ge [sflag:s11], $0x800  }
.Ltmp0:
0x24: {  	[sflag:s11] =	ssyncset.done $0x0;
	(pc) =	sbr.rel @p0 .LBB2_2-.Ltmp0, $4  }
0x25: {  	[sflag:s11] =	ssyncadd.s32 $0xFFFFF800  }
0x26: {  	[spmem:s2] =	stream.indirect.scatter.add.f32 [tilespmem:s12], [sflag:$0x1], $0x10, s15, s13, $0xb8;
	[tilespmem:$0x4318] =	vst v63  }
0x27: {  	_ =	swait.ge [sflag:s11], $0x800  }
0x28: {  	s17 =	smov.u32 s19;
	s15 =	sadd.s32 $0x80, s15;
	[sflag:s11] =	ssyncset.done $0x0  }
0x29: {  	s16 =	sadd.s32 s16, s9;
	[sflag:s11] =	ssyncadd.s32 $0xFFFFF800  }
0x2a: {  	[tilespmem:s12], [sflag:$0x1] =	stream.linear.gather [hbm4b:s16+s3], $0x800, $0x38;
	[tilespmem:$0x4318] =	vst v63  }
0x2b: {  	_ =	swait.ge [sflag:s11], $0x800  }
0x2c: {  	[sflag:s11] =	ssyncset.done $0x0  }
0x2d: {  	[sflag:s11] =	ssyncadd.s32 $0xFFFFF800  }
0x2e: {  	[spmem:s2] =	stream.indirect.scatter.add.f32 [tilespmem:s12], [sflag:$0x1], $0x10, s15, s13, $0xb8;
	[tilespmem:$0x4318] =	vst v63  }
0x2f: {  	_ =	swait.ge [sflag:s11], $0x800  }
0x30: {  	s14 =	sadd.s32 $0x1, s14;
	[sflag:s11] =	ssyncset.done $0x0  }
0x31: {  	p0 =	sne.s32 s14, s8;
	[sflag:s11] =	ssyncadd.s32 $0xFFFFF800  }
.Ltmp1:
0x32: {  	[bflag:$0x0] =	sbarrier.arrive $0xFFFF;
	(pc) =	sbr.rel @p0 .LBB2_1-.Ltmp1, $4  }
0x33: {  	[hbm:s7], [sflag:s5] =	dma.local [spmem:s10], $0x4E2  }
0x34: {  	_ =	swait.ge [sflag:s11], $0x4E2  }
0x35: {  	[sflag:s11] =	ssyncset.done $0x0  }
0x36: {  	[sflag:s11] =	ssyncadd.s32 $0xFFFFFB1E  }
0x37: {  	_ =	sfence.sel $0x180000  }
0x38: {  	[bflag:$0x0] =	sbarrier.arrive $0xFFFF  }
0x39: {  	p0 =	sne.s32 s0, $0x0;
	_ =	strace $0x9000004A  }
0x3a: {  	s0 =	sadd.s32 @!p0 $0x100000, s1;
	[bflag:$0x2] =	sbarrier.arrive $0xFFFF  }
0x3b: {  	[sflag:s0] =	ssyncadd.tile.s32 @!p0 $0x1;
	_ =	shalt  }
.Lfunc_end2:
_tile_overlayer_lowered:
.L_overlay_start_2:
0x3c: {  	(tag) =	ssettag $0x2  }
0x3d: {  	s0 =	rddreg [dreg:$0x0];
	s2 =	stileid.u32  }
0x3e: {  	s1 =	rddreg [dreg:$0x1];
	p0 =	sne.s32 s2, $0x0  }
0x3f: {  	s3 =	rddreg [dreg:$0x2];
	[bflag:$0x3] =	sbarrier.arrive $0xFFFF;
	s2 =	simm.s32 @!p0 $0x1C01  }
0x40: {  	[timem:s3], [sflag:s2] =	dma.local @!p0 [hbm:s0], s1  }
0x41: {  	s0 =	simm.s32 @!p0 $0x1  }
0x42: {  	_ =	swait.ge @!p0 [sflag:s0], s1  }
0x43: {  	s1 =	ssub.s32 @!p0 $0x0, s1;
	[sflag:s0] =	ssyncset.done @!p0 $0x0  }
0x44: {  	[sflag:s0] =	ssyncadd.s32 @!p0 s1  }
0x45: {  	[bflag:$0x3] =	sbarrier.arrive $0xFFFF  }
0x46: {  	_ =	shalt  }

</sc_bundles>
